<compile_context>
chip_gen: v7x
topology: tpu7x:2x2x1
jax: 0.10.2.dev20260603
libtpu: 0.0.44.dev20260713+nightly
codegen_flags: <defaults>
</compile_context>

<pallas_src>
import functools

import jax
import jax.numpy as jnp
from jax import lax
from jax.experimental import pallas as pl
from jax.experimental.pallas import tpu as pltpu
from jax.experimental.pallas import tpu_sc as plsc

D_FEAT = 128
NC = 2
NS = 16
NW = NC * NS
CHUNK = 128


def _sc_body(x_hbm, src_hbm, dst_hbm, dt_hbm, norm_hbm, lam_hbm, out_hbm,
             src_v, dst_v, dt_v, norm_v, rows_v, lam_v, acc, sem,
             *, chunks_per_tile, rows_per_tile):
    cid = lax.axis_index("c")
    sid = lax.axis_index("s")
    wid = sid * NC + cid

    def zrow(e, carry):
        for cc in range(D_FEAT // 16):
            rows_v[e, pl.ds(cc * 16, 16)] = jnp.zeros((16,), jnp.float32)
        return carry
    lax.fori_loop(0, CHUNK, zrow, 0)
    for q in range(rows_per_tile // CHUNK):
        pltpu.sync_copy(rows_v,
                        acc.at[pl.ds(sid * rows_per_tile + q * CHUNK, CHUNK)])
    plsc.subcore_barrier()

    pltpu.sync_copy(lam_hbm, lam_v)
    neg_lam = -(jnp.maximum(lam_v[...], 0.0) + 1e-4)

    edges_per_tile = chunks_per_tile * CHUNK

    def chunk_body(ci, carry):
        base = wid * edges_per_tile + ci * CHUNK
        pltpu.sync_copy(src_hbm.at[pl.ds(base, CHUNK)], src_v)
        pltpu.sync_copy(dst_hbm.at[pl.ds(base, CHUNK)], dst_v)
        pltpu.sync_copy(dt_hbm.at[pl.ds(base, CHUNK)], dt_v)
        pltpu.sync_copy(norm_hbm.at[pl.ds(base, CHUNK)], norm_v)
        pltpu.async_copy(x_hbm.at[src_v], rows_v, sem).wait()
        def scale(g, c2):
            sl = pl.ds(g * 16, 16)
            w16 = norm_v[sl] * jnp.exp(neg_lam * dt_v[sl])
            for i in range(16):
                e = g * 16 + i
                wb = jnp.full((16,), w16[i], jnp.float32)
                for cc in range(D_FEAT // 16):
                    sl2 = pl.ds(cc * 16, 16)
                    rows_v[e, sl2] = rows_v[e, sl2] * wb
            return c2
        lax.fori_loop(0, CHUNK // 16, scale, 0)
        pltpu.sync_copy(rows_v, acc.at[dst_v], add=True)
        return carry
    lax.fori_loop(0, chunks_per_tile, chunk_body, 0)

    plsc.subcore_barrier()
    pltpu.sync_copy(acc.at[pl.ds(sid * rows_per_tile, rows_per_tile)],
                    out_hbm.at[cid, pl.ds(sid * rows_per_tile, rows_per_tile)])


def _sum2_body(a_ref, b_ref, o_ref):
    o_ref[...] = a_ref[...] + b_ref[...]


def kernel(x, edge_index, dt, norm, decay_lam):
    n_nodes, d_feat = x.shape
    n_edges = dt.shape[0]
    quant = NW * CHUNK
    n_pad = ((n_edges + quant - 1) // quant) * quant
    chunks_per_tile = n_pad // (NW * CHUNK)
    pad = n_pad - n_edges

    src = jnp.pad(edge_index[0].astype(jnp.int32), (0, pad))
    dst = jnp.pad(edge_index[1].astype(jnp.int32), (0, pad))
    dt_p = jnp.pad(dt, (0, pad))
    norm_p = jnp.pad(norm, (0, pad))
    lam_arr = jnp.full((16,), decay_lam, jnp.float32)

    n_acc = ((n_nodes + NS * CHUNK - 1) // (NS * CHUNK)) * (NS * CHUNK)
    rows_per_tile = n_acc // NS

    mesh = plsc.VectorSubcoreMesh(core_axis_name="c", subcore_axis_name="s")
    sc_kernel = pl.kernel(
        functools.partial(_sc_body, chunks_per_tile=chunks_per_tile,
                          rows_per_tile=rows_per_tile),
        out_type=jax.ShapeDtypeStruct((NC, n_acc, d_feat), jnp.float32),
        mesh=mesh,
        scratch_types=[
            pltpu.VMEM((CHUNK,), jnp.int32),
            pltpu.VMEM((CHUNK,), jnp.int32),
            pltpu.VMEM((CHUNK,), jnp.float32),
            pltpu.VMEM((CHUNK,), jnp.float32),
            pltpu.VMEM((CHUNK, D_FEAT), jnp.float32),
            pltpu.VMEM((16,), jnp.float32),
            pltpu.VMEM_SHARED((n_acc, d_feat), jnp.float32),
            pltpu.SemaphoreType.DMA,
        ],
    )
    partial = sc_kernel(x, src, dst, dt_p, norm_p, lam_arr)

    nb = 10
    out = pl.pallas_call(
        _sum2_body,
        out_shape=jax.ShapeDtypeStruct((n_nodes, d_feat), jnp.float32),
        grid=(nb,),
        in_specs=[pl.BlockSpec((n_nodes // nb, d_feat), lambda i: (i, 0))] * 2,
        out_specs=pl.BlockSpec((n_nodes // nb, d_feat), lambda i: (i, 0)),
    )(partial[0], partial[1])
    return out

# --- scband reference (transcript-rebuilt; emitter-appended) ---
"""Pipeline reference for scband-temporal-light-gcnlayer-22935125361010 (READ-ONLY COPY).

The authoritative reference and input builder live on the scoring server;
editing this copy changes nothing except your own understanding.
"""

import jax, jax.numpy as jnp
import numpy as np


def setup_inputs(seed: int = 0) -> dict:
    key = jax.random.key(seed)
    k1, k2, k3, k4 = jax.random.split(key, 4)
    n_nodes = 10000
    n_edges = 320000
    d_feat = 128
    x = jax.random.normal(k1, (n_nodes, d_feat), dtype=jnp.float32)
    edge_index = jax.random.randint(k2, (2, n_edges), 0, n_nodes, dtype=jnp.int64)
    dt = jax.random.uniform(k3, (n_edges,), dtype=jnp.float32)
    norm = jax.random.uniform(k4, (n_edges,), dtype=jnp.float32)
    # learned scalar parameter (nn.Parameter(torch.tensor(0.1)))
    decay_lam = jnp.asarray(0.1, dtype=jnp.float32)
    return {"x": x, "edge_index": edge_index, "dt": dt, "norm": norm, "decay_lam": decay_lam}


def reference(x, edge_index, dt, norm, decay_lam):
    # lam = relu(decay_lam) + 0.0001
    lam = jnp.maximum(decay_lam, 0.0) + 0.0001
    # time_decay = exp(-lam * dt); temporal_weight = norm * time_decay
    temporal_weight = norm * jnp.exp(-lam * dt)
    src = edge_index[0]
    dst = edge_index[1]
    # message: m_e = h[src_e] * temporal_weight_e  (u_mul_e)
    m = x[src] * temporal_weight[:, None]
    # reduce: h_new[v] = sum over incoming edges (fn.sum)
    h_new = jax.ops.segment_sum(m, dst, num_segments=x.shape[0])
    return h_new

if __name__ == "__main__":
    import jax
    _d = setup_inputs()
    print(jax.jit(kernel)(*tuple(_d.values())))

</pallas_src>

<mosaic_0001>
#map = affine_map<(d0, d1) -> (0, 0)>
#map1 = affine_map<(d0, d1) -> (0)>
#map2 = affine_map<(d0, d1) -> (0, 0, 0)>
module attributes {stable_mosaic.version = 14 : i64} {
  func.func @_sc_body(%arg0: i32, %arg1: i32, %arg2: memref<10000x128xf32, #tpu.memory_space<hbm>>, %arg3: memref<323584xi32, #tpu.memory_space<hbm>>, %arg4: memref<323584xi32, #tpu.memory_space<hbm>>, %arg5: memref<323584xf32, #tpu.memory_space<hbm>>, %arg6: memref<323584xf32, #tpu.memory_space<hbm>>, %arg7: memref<16xf32, #tpu.memory_space<hbm>>, %arg8: memref<2x10240x128xf32, #tpu.memory_space<hbm>>, %arg9: memref<128xi32, #tpu.memory_space<vmem>>, %arg10: memref<128xi32, #tpu.memory_space<vmem>>, %arg11: memref<128xf32, #tpu.memory_space<vmem>>, %arg12: memref<128xf32, #tpu.memory_space<vmem>>, %arg13: memref<128x128xf32, #tpu.memory_space<vmem>>, %arg14: memref<16xf32, #tpu.memory_space<vmem>>, %arg15: memref<10240x128xf32, #tpu.memory_space<vmem_shared>>, %arg16: memref<!tpu.dma_semaphore, #tpu.memory_space<semaphore_mem>>) attributes {dimension_semantics = [#tpu.dimension_semantics<core_parallel>, #tpu.dimension_semantics<subcore_parallel>], iteration_bounds = array<i64: 2, 16>, scalar_prefetch = 0 : i64, scratch_operands = 8 : i64, tpu.core_type = #tpu.core_type<sc_vector_subcore>, window_params = [{transform_indices = #map}, {transform_indices = #map1}, {transform_indices = #map1}, {transform_indices = #map1}, {transform_indices = #map1}, {transform_indices = #map1}, {transform_indices = #map2}]} {
    %mul3A = arith.constant 2 : i32
    %mul3A_0 = arith.muli %arg1, %mul3A : i32
    %add3A = arith.addi %mul3A_0, %arg0 : i32
    %scan3A = arith.constant 0 : i32
    %scan3A_1 = arith.constant 0 : i32
    %scan3A_2 = arith.constant 128 : i32
    %scan3A_3 = arith.addi %scan3A_1, %scan3A_2 : i32
    %scan3A_4 = arith.constant 1 : i32
    scf.for %scan3A_46 = %scan3A_1 to %scan3A_3 step %scan3A_4  : i32 {
      %broadcast_in_dim3A = arith.constant 0.000000e+00 : f32
      %broadcast_in_dim3A_47 = vector.broadcast %broadcast_in_dim3A : f32 to vector<16xf32>
      %swap3A = arith.index_cast %scan3A_46 : i32 to index
      %swap3A_48 = arith.constant 0 : index
      %swap3A_49 = tpu.vector_load %arg13[%swap3A, %swap3A_48] {strides = array<i32>} : memref<128x128xf32, #tpu.memory_space<vmem>>, vector<1x16xf32>,
      %swap3A_50 = vector.shape_cast %swap3A_49 : vector<1x16xf32> to vector<16xf32>
      %swap3A_51 = vector.shape_cast %broadcast_in_dim3A_47 : vector<16xf32> to vector<1x16xf32>
      tpu.vector_store %arg13[%swap3A, %swap3A_48], %swap3A_51 {strides = array<i32>} : memref<128x128xf32, #tpu.memory_space<vmem>>, vector<1x16xf32>,
      %broadcast_in_dim3A_52 = arith.constant 0.000000e+00 : f32
      %broadcast_in_dim3A_53 = vector.broadcast %broadcast_in_dim3A_52 : f32 to vector<16xf32>
      %swap3A_54 = arith.index_cast %scan3A_46 : i32 to index
      %swap3A_55 = arith.constant 16 : index
      %swap3A_56 = tpu.vector_load %arg13[%swap3A_54, %swap3A_55] {strides = array<i32>} : memref<128x128xf32, #tpu.memory_space<vmem>>, vector<1x16xf32>,
      %swap3A_57 = vector.shape_cast %swap3A_56 : vector<1x16xf32> to vector<16xf32>
      %swap3A_58 = vector.shape_cast %broadcast_in_dim3A_53 : vector<16xf32> to vector<1x16xf32>
      tpu.vector_store %arg13[%swap3A_54, %swap3A_55], %swap3A_58 {strides = array<i32>} : memref<128x128xf32, #tpu.memory_space<vmem>>, vector<1x16xf32>,
      %broadcast_in_dim3A_59 = arith.constant 0.000000e+00 : f32
      %broadcast_in_dim3A_60 = vector.broadcast %broadcast_in_dim3A_59 : f32 to vector<16xf32>
      %swap3A_61 = arith.index_cast %scan3A_46 : i32 to index
      %swap3A_62 = arith.constant 32 : index
      %swap3A_63 = tpu.vector_load %arg13[%swap3A_61, %swap3A_62] {strides = array<i32>} : memref<128x128xf32, #tpu.memory_space<vmem>>, vector<1x16xf32>,
      %swap3A_64 = vector.shape_cast %swap3A_63 : vector<1x16xf32> to vector<16xf32>
      %swap3A_65 = vector.shape_cast %broadcast_in_dim3A_60 : vector<16xf32> to vector<1x16xf32>
      tpu.vector_store %arg13[%swap3A_61, %swap3A_62], %swap3A_65 {strides = array<i32>} : memref<128x128xf32, #tpu.memory_space<vmem>>, vector<1x16xf32>,
      %broadcast_in_dim3A_66 = arith.constant 0.000000e+00 : f32
      %broadcast_in_dim3A_67 = vector.broadcast %broadcast_in_dim3A_66 : f32 to vector<16xf32>
      %swap3A_68 = arith.index_cast %scan3A_46 : i32 to index
      %swap3A_69 = arith.constant 48 : index
      %swap3A_70 = tpu.vector_load %arg13[%swap3A_68, %swap3A_69] {strides = array<i32>} : memref<128x128xf32, #tpu.memory_space<vmem>>, vector<1x16xf32>,
      %swap3A_71 = vector.shape_cast %swap3A_70 : vector<1x16xf32> to vector<16xf32>
      %swap3A_72 = vector.shape_cast %broadcast_in_dim3A_67 : vector<16xf32> to vector<1x16xf32>
      tpu.vector_store %arg13[%swap3A_68, %swap3A_69], %swap3A_72 {strides = array<i32>} : memref<128x128xf32, #tpu.memory_space<vmem>>, vector<1x16xf32>,
      %broadcast_in_dim3A_73 = arith.constant 0.000000e+00 : f32
      %broadcast_in_dim3A_74 = vector.broadcast %broadcast_in_dim3A_73 : f32 to vector<16xf32>
      %swap3A_75 = arith.index_cast %scan3A_46 : i32 to index
      %swap3A_76 = arith.constant 64 : index
      %swap3A_77 = tpu.vector_load %arg13[%swap3A_75, %swap3A_76] {strides = array<i32>} : memref<128x128xf32, #tpu.memory_space<vmem>>, vector<1x16xf32>,
      %swap3A_78 = vector.shape_cast %swap3A_77 : vector<1x16xf32> to vector<16xf32>
      %swap3A_79 = vector.shape_cast %broadcast_in_dim3A_74 : vector<16xf32> to vector<1x16xf32>
      tpu.vector_store %arg13[%swap3A_75, %swap3A_76], %swap3A_79 {strides = array<i32>} : memref<128x128xf32, #tpu.memory_space<vmem>>, vector<1x16xf32>,
      %broadcast_in_dim3A_80 = arith.constant 0.000000e+00 : f32
      %broadcast_in_dim3A_81 = vector.broadcast %broadcast_in_dim3A_80 : f32 to vector<16xf32>
      %swap3A_82 = arith.index_cast %scan3A_46 : i32 to index
      %swap3A_83 = arith.constant 80 : index
      %swap3A_84 = tpu.vector_load %arg13[%swap3A_82, %swap3A_83] {strides = array<i32>} : memref<128x128xf32, #tpu.memory_space<vmem>>, vector<1x16xf32>,
      %swap3A_85 = vector.shape_cast %swap3A_84 : vector<1x16xf32> to vector<16xf32>
      %swap3A_86 = vector.shape_cast %broadcast_in_dim3A_81 : vector<16xf32> to vector<1x16xf32>
      tpu.vector_store %arg13[%swap3A_82, %swap3A_83], %swap3A_86 {strides = array<i32>} : memref<128x128xf32, #tpu.memory_space<vmem>>, vector<1x16xf32>,
      %broadcast_in_dim3A_87 = arith.constant 0.000000e+00 : f32
      %broadcast_in_dim3A_88 = vector.broadcast %broadcast_in_dim3A_87 : f32 to vector<16xf32>
      %swap3A_89 = arith.index_cast %scan3A_46 : i32 to index
      %swap3A_90 = arith.constant 96 : index
      %swap3A_91 = tpu.vector_load %arg13[%swap3A_89, %swap3A_90] {strides = array<i32>} : memref<128x128xf32, #tpu.memory_space<vmem>>, vector<1x16xf32>,
      %swap3A_92 = vector.shape_cast %swap3A_91 : vector<1x16xf32> to vector<16xf32>
      %swap3A_93 = vector.shape_cast %broadcast_in_dim3A_88 : vector<16xf32> to vector<1x16xf32>
      tpu.vector_store %arg13[%swap3A_89, %swap3A_90], %swap3A_93 {strides = array<i32>} : memref<128x128xf32, #tpu.memory_space<vmem>>, vector<1x16xf32>,
      %broadcast_in_dim3A_94 = arith.constant 0.000000e+00 : f32
      %broadcast_in_dim3A_95 = vector.broadcast %broadcast_in_dim3A_94 : f32 to vector<16xf32>
      %swap3A_96 = arith.index_cast %scan3A_46 : i32 to index
      %swap3A_97 = arith.constant 112 : index
      %swap3A_98 = tpu.vector_load %arg13[%swap3A_96, %swap3A_97] {strides = array<i32>} : memref<128x128xf32, #tpu.memory_space<vmem>>, vector<1x16xf32>,
      %swap3A_99 = vector.shape_cast %swap3A_98 : vector<1x16xf32> to vector<16xf32>
      %swap3A_100 = vector.shape_cast %broadcast_in_dim3A_95 : vector<16xf32> to vector<1x16xf32>
      tpu.vector_store %arg13[%swap3A_96, %swap3A_97], %swap3A_100 {strides = array<i32>} : memref<128x128xf32, #tpu.memory_space<vmem>>, vector<1x16xf32>,
    }
    %scan3A_5 = arith.constant 128 : i32
    %mul3A_6 = arith.constant 640 : i32
    %mul3A_7 = arith.muli %arg1, %mul3A_6 : i32
    %add3A_8 = arith.constant 0 : i32
    %add3A_9 = arith.addi %mul3A_7, %add3A_8 : i32
    "tpu.region"() ({
      %run_scoped3A = tpu.sem_alloc : memref<!tpu.dma_semaphore, #tpu.memory_space<semaphore_mem>>
      %dma_start3A = arith.constant 0 : i32
      %dma_start3A_46 = tpu.memref_slice %arg15[%add3A_9, %dma_start3A] : memref<10240x128xf32, #tpu.memory_space<vmem_shared>> -> memref<128x128xf32, #tpu.memory_space<vmem_shared>>
      %dma_start3A_47 = arith.constant 0 : i32
      %dma_start3A_48 = tpu.memref_slice %arg15[%add3A_9, %dma_start3A_47] : memref<10240x128xf32, #tpu.memory_space<vmem_shared>> -> memref<128x128xf32, #tpu.memory_space<vmem_shared>>
      tpu.enqueue_dma source(%arg13 : memref<128x128xf32, #tpu.memory_space<vmem>>) target(%dma_start3A_48 : memref<128x128xf32, #tpu.memory_space<vmem_shared>>) target_semaphore(%run_scoped3A : memref<!tpu.dma_semaphore, #tpu.memory_space<semaphore_mem>>)
      %dma_wait3A = arith.constant 0 : i32
      %dma_wait3A_49 = tpu.memref_slice %arg15[%add3A_9, %dma_wait3A] : memref<10240x128xf32, #tpu.memory_space<vmem_shared>> -> memref<128x128xf32, #tpu.memory_space<vmem_shared>>
      %dma_wait3A_50 = arith.constant 0 : i32
      %dma_wait3A_51 = tpu.memref_slice %arg15[%add3A_9, %dma_wait3A_50] : memref<10240x128xf32, #tpu.memory_space<vmem_shared>> -> memref<128x128xf32, #tpu.memory_space<vmem_shared>>
      tpu.wait_dma2 semaphore(%run_scoped3A : memref<!tpu.dma_semaphore, #tpu.memory_space<semaphore_mem>>) src(%arg13 : memref<128x128xf32, #tpu.memory_space<vmem>>) dst(%dma_wait3A_51 : memref<128x128xf32, #tpu.memory_space<vmem_shared>>)
      tpu.yield
    }) : () -> ()
    %mul3A_10 = arith.constant 640 : i32
    %mul3A_11 = arith.muli %arg1, %mul3A_10 : i32
    %add3A_12 = arith.constant 128 : i32
    %add3A_13 = arith.addi %mul3A_11, %add3A_12 : i32
    "tpu.region"() ({
      %run_scoped3A = tpu.sem_alloc : memref<!tpu.dma_semaphore, #tpu.memory_space<semaphore_mem>>
      %dma_start3A = arith.constant 0 : i32
      %dma_start3A_46 = tpu.memref_slice %arg15[%add3A_13, %dma_start3A] : memref<10240x128xf32, #tpu.memory_space<vmem_shared>> -> memref<128x128xf32, #tpu.memory_space<vmem_shared>>
      %dma_start3A_47 = arith.constant 0 : i32
      %dma_start3A_48 = tpu.memref_slice %arg15[%add3A_13, %dma_start3A_47] : memref<10240x128xf32, #tpu.memory_space<vmem_shared>> -> memref<128x128xf32, #tpu.memory_space<vmem_shared>>
      tpu.enqueue_dma source(%arg13 : memref<128x128xf32, #tpu.memory_space<vmem>>) target(%dma_start3A_48 : memref<128x128xf32, #tpu.memory_space<vmem_shared>>) target_semaphore(%run_scoped3A : memref<!tpu.dma_semaphore, #tpu.memory_space<semaphore_mem>>)
      %dma_wait3A = arith.constant 0 : i32
      %dma_wait3A_49 = tpu.memref_slice %arg15[%add3A_13, %dma_wait3A] : memref<10240x128xf32, #tpu.memory_space<vmem_shared>> -> memref<128x128xf32, #tpu.memory_space<vmem_shared>>
      %dma_wait3A_50 = arith.constant 0 : i32
      %dma_wait3A_51 = tpu.memref_slice %arg15[%add3A_13, %dma_wait3A_50] : memref<10240x128xf32, #tpu.memory_space<vmem_shared>> -> memref<128x128xf32, #tpu.memory_space<vmem_shared>>
      tpu.wait_dma2 semaphore(%run_scoped3A : memref<!tpu.dma_semaphore, #tpu.memory_space<semaphore_mem>>) src(%arg13 : memref<128x128xf32, #tpu.memory_space<vmem>>) dst(%dma_wait3A_51 : memref<128x128xf32, #tpu.memory_space<vmem_shared>>)
      tpu.yield
    }) : () -> ()
    %mul3A_14 = arith.constant 640 : i32
    %mul3A_15 = arith.muli %arg1, %mul3A_14 : i32
    %add3A_16 = arith.constant 256 : i32
    %add3A_17 = arith.addi %mul3A_15, %add3A_16 : i32
    "tpu.region"() ({
      %run_scoped3A = tpu.sem_alloc : memref<!tpu.dma_semaphore, #tpu.memory_space<semaphore_mem>>
      %dma_start3A = arith.constant 0 : i32
      %dma_start3A_46 = tpu.memref_slice %arg15[%add3A_17, %dma_start3A] : memref<10240x128xf32, #tpu.memory_space<vmem_shared>> -> memref<128x128xf32, #tpu.memory_space<vmem_shared>>
      %dma_start3A_47 = arith.constant 0 : i32
      %dma_start3A_48 = tpu.memref_slice %arg15[%add3A_17, %dma_start3A_47] : memref<10240x128xf32, #tpu.memory_space<vmem_shared>> -> memref<128x128xf32, #tpu.memory_space<vmem_shared>>
      tpu.enqueue_dma source(%arg13 : memref<128x128xf32, #tpu.memory_space<vmem>>) target(%dma_start3A_48 : memref<128x128xf32, #tpu.memory_space<vmem_shared>>) target_semaphore(%run_scoped3A : memref<!tpu.dma_semaphore, #tpu.memory_space<semaphore_mem>>)
      %dma_wait3A = arith.constant 0 : i32
      %dma_wait3A_49 = tpu.memref_slice %arg15[%add3A_17, %dma_wait3A] : memref<10240x128xf32, #tpu.memory_space<vmem_shared>> -> memref<128x128xf32, #tpu.memory_space<vmem_shared>>
      %dma_wait3A_50 = arith.constant 0 : i32
      %dma_wait3A_51 = tpu.memref_slice %arg15[%add3A_17, %dma_wait3A_50] : memref<10240x128xf32, #tpu.memory_space<vmem_shared>> -> memref<128x128xf32, #tpu.memory_space<vmem_shared>>
      tpu.wait_dma2 semaphore(%run_scoped3A : memref<!tpu.dma_semaphore, #tpu.memory_space<semaphore_mem>>) src(%arg13 : memref<128x128xf32, #tpu.memory_space<vmem>>) dst(%dma_wait3A_51 : memref<128x128xf32, #tpu.memory_space<vmem_shared>>)
      tpu.yield
    }) : () -> ()
    %mul3A_18 = arith.constant 640 : i32
    %mul3A_19 = arith.muli %arg1, %mul3A_18 : i32
    %add3A_20 = arith.constant 384 : i32
    %add3A_21 = arith.addi %mul3A_19, %add3A_20 : i32
    "tpu.region"() ({
      %run_scoped3A = tpu.sem_alloc : memref<!tpu.dma_semaphore, #tpu.memory_space<semaphore_mem>>
      %dma_start3A = arith.constant 0 : i32
      %dma_start3A_46 = tpu.memref_slice %arg15[%add3A_21, %dma_start3A] : memref<10240x128xf32, #tpu.memory_space<vmem_shared>> -> memref<128x128xf32, #tpu.memory_space<vmem_shared>>
      %dma_start3A_47 = arith.constant 0 : i32
      %dma_start3A_48 = tpu.memref_slice %arg15[%add3A_21, %dma_start3A_47] : memref<10240x128xf32, #tpu.memory_space<vmem_shared>> -> memref<128x128xf32, #tpu.memory_space<vmem_shared>>
      tpu.enqueue_dma source(%arg13 : memref<128x128xf32, #tpu.memory_space<vmem>>) target(%dma_start3A_48 : memref<128x128xf32, #tpu.memory_space<vmem_shared>>) target_semaphore(%run_scoped3A : memref<!tpu.dma_semaphore, #tpu.memory_space<semaphore_mem>>)
      %dma_wait3A = arith.constant 0 : i32
      %dma_wait3A_49 = tpu.memref_slice %arg15[%add3A_21, %dma_wait3A] : memref<10240x128xf32, #tpu.memory_space<vmem_shared>> -> memref<128x128xf32, #tpu.memory_space<vmem_shared>>
      %dma_wait3A_50 = arith.constant 0 : i32
      %dma_wait3A_51 = tpu.memref_slice %arg15[%add3A_21, %dma_wait3A_50] : memref<10240x128xf32, #tpu.memory_space<vmem_shared>> -> memref<128x128xf32, #tpu.memory_space<vmem_shared>>
      tpu.wait_dma2 semaphore(%run_scoped3A : memref<!tpu.dma_semaphore, #tpu.memory_space<semaphore_mem>>) src(%arg13 : memref<128x128xf32, #tpu.memory_space<vmem>>) dst(%dma_wait3A_51 : memref<128x128xf32, #tpu.memory_space<vmem_shared>>)
      tpu.yield
    }) : () -> ()
    %mul3A_22 = arith.constant 640 : i32
    %mul3A_23 = arith.muli %arg1, %mul3A_22 : i32
    %add3A_24 = arith.constant 512 : i32
    %add3A_25 = arith.addi %mul3A_23, %add3A_24 : i32
    "tpu.region"() ({
      %run_scoped3A = tpu.sem_alloc : memref<!tpu.dma_semaphore, #tpu.memory_space<semaphore_mem>>
      %dma_start3A = arith.constant 0 : i32
      %dma_start3A_46 = tpu.memref_slice %arg15[%add3A_25, %dma_start3A] : memref<10240x128xf32, #tpu.memory_space<vmem_shared>> -> memref<128x128xf32, #tpu.memory_space<vmem_shared>>
      %dma_start3A_47 = arith.constant 0 : i32
      %dma_start3A_48 = tpu.memref_slice %arg15[%add3A_25, %dma_start3A_47] : memref<10240x128xf32, #tpu.memory_space<vmem_shared>> -> memref<128x128xf32, #tpu.memory_space<vmem_shared>>
      tpu.enqueue_dma source(%arg13 : memref<128x128xf32, #tpu.memory_space<vmem>>) target(%dma_start3A_48 : memref<128x128xf32, #tpu.memory_space<vmem_shared>>) target_semaphore(%run_scoped3A : memref<!tpu.dma_semaphore, #tpu.memory_space<semaphore_mem>>)
      %dma_wait3A = arith.constant 0 : i32
      %dma_wait3A_49 = tpu.memref_slice %arg15[%add3A_25, %dma_wait3A] : memref<10240x128xf32, #tpu.memory_space<vmem_shared>> -> memref<128x128xf32, #tpu.memory_space<vmem_shared>>
      %dma_wait3A_50 = arith.constant 0 : i32
      %dma_wait3A_51 = tpu.memref_slice %arg15[%add3A_25, %dma_wait3A_50] : memref<10240x128xf32, #tpu.memory_space<vmem_shared>> -> memref<128x128xf32, #tpu.memory_space<vmem_shared>>
      tpu.wait_dma2 semaphore(%run_scoped3A : memref<!tpu.dma_semaphore, #tpu.memory_space<semaphore_mem>>) src(%arg13 : memref<128x128xf32, #tpu.memory_space<vmem>>) dst(%dma_wait3A_51 : memref<128x128xf32, #tpu.memory_space<vmem_shared>>)
      tpu.yield
    }) : () -> ()
    %barrier3A = arith.constant 0 : index
    tpu.barrier barrier_id(%barrier3A)
    "tpu.region"() ({
      %run_scoped3A = tpu.sem_alloc : memref<!tpu.dma_semaphore, #tpu.memory_space<semaphore_mem>>
      tpu.enqueue_dma source(%arg7 : memref<16xf32, #tpu.memory_space<hbm>>) target(%arg14 : memref<16xf32, #tpu.memory_space<vmem>>) target_semaphore(%run_scoped3A : memref<!tpu.dma_semaphore, #tpu.memory_space<semaphore_mem>>)
      tpu.wait_dma2 semaphore(%run_scoped3A : memref<!tpu.dma_semaphore, #tpu.memory_space<semaphore_mem>>) src(%arg7 : memref<16xf32, #tpu.memory_space<hbm>>) dst(%arg14 : memref<16xf32, #tpu.memory_space<vmem>>)
      tpu.yield
    }) : () -> ()
    %get3A = arith.constant 0 : index
    %get3A_26 = tpu.vector_load %arg14[%get3A] {strides = array<i32>} : memref<16xf32, #tpu.memory_space<vmem>>, vector<16xf32>,
    %get3A_27 = vector.shape_cast %get3A_26 : vector<16xf32> to vector<16xf32>
    %max3A = arith.constant 0.000000e+00 : f32
    %max3A_28 = vector.broadcast %max3A : f32 to vector<16xf32>
    %max3A_29 = arith.maximumf %get3A_27, %max3A_28 : vector<16xf32>
    %add3A_30 = arith.constant 9.99999974E-5 : f32
    %add3A_31 = vector.broadcast %add3A_30 : f32 to vector<16xf32>
    %add3A_32 = arith.addf %max3A_29, %add3A_31 : vector<16xf32>
    %neg3A = arith.constant 0.000000e+00 : f32
    %neg3A_33 = vector.broadcast %neg3A : f32 to vector<16xf32>
    %neg3A_34 = arith.subf %neg3A_33, %add3A_32 : vector<16xf32>
    %scan3A_35 = arith.constant 0 : i32
    %scan3A_36 = arith.constant 0 : i32
    %scan3A_37 = arith.constant 79 : i32
    %scan3A_38 = arith.addi %scan3A_36, %scan3A_37 : i32
    %scan3A_39 = arith.constant 1 : i32
    scf.for %scan3A_46 = %scan3A_36 to %scan3A_38 step %scan3A_39  : i32 {
      %mul3A_47 = arith.constant 10112 : i32
      %mul3A_48 = arith.muli %add3A, %mul3A_47 : i32
      %mul3A_49 = arith.constant 128 : i32
      %mul3A_50 = arith.muli %scan3A_46, %mul3A_49 : i32
      %add3A_51 = arith.addi %mul3A_48, %mul3A_50 : i32
      "tpu.region"() ({
        %run_scoped3A = tpu.sem_alloc : memref<!tpu.dma_semaphore, #tpu.memory_space<semaphore_mem>>
        %dma_start3A_62 = tpu.memref_slice %arg3[%add3A_51] : memref<323584xi32, #tpu.memory_space<hbm>> -> memref<128xi32, #tpu.memory_space<hbm>>
        %dma_start3A_63 = tpu.memref_slice %arg3[%add3A_51] : memref<323584xi32, #tpu.memory_space<hbm>> -> memref<128xi32, #tpu.memory_space<hbm>>
        tpu.enqueue_dma source(%dma_start3A_63 : memref<128xi32, #tpu.memory_space<hbm>>) target(%arg9 : memref<128xi32, #tpu.memory_space<vmem>>) target_semaphore(%run_scoped3A : memref<!tpu.dma_semaphore, #tpu.memory_space<semaphore_mem>>)
        %dma_wait3A_64 = tpu.memref_slice %arg3[%add3A_51] : memref<323584xi32, #tpu.memory_space<hbm>> -> memref<128xi32, #tpu.memory_space<hbm>>
        %dma_wait3A_65 = tpu.memref_slice %arg3[%add3A_51] : memref<323584xi32, #tpu.memory_space<hbm>> -> memref<128xi32, #tpu.memory_space<hbm>>
        tpu.wait_dma2 semaphore(%run_scoped3A : memref<!tpu.dma_semaphore, #tpu.memory_space<semaphore_mem>>) src(%dma_wait3A_65 : memref<128xi32, #tpu.memory_space<hbm>>) dst(%arg9 : memref<128xi32, #tpu.memory_space<vmem>>)
        tpu.yield
      }) : () -> ()
      "tpu.region"() ({
        %run_scoped3A = tpu.sem_alloc : memref<!tpu.dma_semaphore, #tpu.memory_space<semaphore_mem>>
        %dma_start3A_62 = tpu.memref_slice %arg4[%add3A_51] : memref<323584xi32, #tpu.memory_space<hbm>> -> memref<128xi32, #tpu.memory_space<hbm>>
        %dma_start3A_63 = tpu.memref_slice %arg4[%add3A_51] : memref<323584xi32, #tpu.memory_space<hbm>> -> memref<128xi32, #tpu.memory_space<hbm>>
        tpu.enqueue_dma source(%dma_start3A_63 : memref<128xi32, #tpu.memory_space<hbm>>) target(%arg10 : memref<128xi32, #tpu.memory_space<vmem>>) target_semaphore(%run_scoped3A : memref<!tpu.dma_semaphore, #tpu.memory_space<semaphore_mem>>)
        %dma_wait3A_64 = tpu.memref_slice %arg4[%add3A_51] : memref<323584xi32, #tpu.memory_space<hbm>> -> memref<128xi32, #tpu.memory_space<hbm>>
        %dma_wait3A_65 = tpu.memref_slice %arg4[%add3A_51] : memref<323584xi32, #tpu.memory_space<hbm>> -> memref<128xi32, #tpu.memory_space<hbm>>
        tpu.wait_dma2 semaphore(%run_scoped3A : memref<!tpu.dma_semaphore, #tpu.memory_space<semaphore_mem>>) src(%dma_wait3A_65 : memref<128xi32, #tpu.memory_space<hbm>>) dst(%arg10 : memref<128xi32, #tpu.memory_space<vmem>>)
        tpu.yield
      }) : () -> ()
      "tpu.region"() ({
        %run_scoped3A = tpu.sem_alloc : memref<!tpu.dma_semaphore, #tpu.memory_space<semaphore_mem>>
        %dma_start3A_62 = tpu.memref_slice %arg5[%add3A_51] : memref<323584xf32, #tpu.memory_space<hbm>> -> memref<128xf32, #tpu.memory_space<hbm>>
        %dma_start3A_63 = tpu.memref_slice %arg5[%add3A_51] : memref<323584xf32, #tpu.memory_space<hbm>> -> memref<128xf32, #tpu.memory_space<hbm>>
        tpu.enqueue_dma source(%dma_start3A_63 : memref<128xf32, #tpu.memory_space<hbm>>) target(%arg11 : memref<128xf32, #tpu.memory_space<vmem>>) target_semaphore(%run_scoped3A : memref<!tpu.dma_semaphore, #tpu.memory_space<semaphore_mem>>)
        %dma_wait3A_64 = tpu.memref_slice %arg5[%add3A_51] : memref<323584xf32, #tpu.memory_space<hbm>> -> memref<128xf32, #tpu.memory_space<hbm>>
        %dma_wait3A_65 = tpu.memref_slice %arg5[%add3A_51] : memref<323584xf32, #tpu.memory_space<hbm>> -> memref<128xf32, #tpu.memory_space<hbm>>
        tpu.wait_dma2 semaphore(%run_scoped3A : memref<!tpu.dma_semaphore, #tpu.memory_space<semaphore_mem>>) src(%dma_wait3A_65 : memref<128xf32, #tpu.memory_space<hbm>>) dst(%arg11 : memref<128xf32, #tpu.memory_space<vmem>>)
        tpu.yield
      }) : () -> ()
      "tpu.region"() ({
        %run_scoped3A = tpu.sem_alloc : memref<!tpu.dma_semaphore, #tpu.memory_space<semaphore_mem>>
        %dma_start3A_62 = tpu.memref_slice %arg6[%add3A_51] : memref<323584xf32, #tpu.memory_space<hbm>> -> memref<128xf32, #tpu.memory_space<hbm>>
        %dma_start3A_63 = tpu.memref_slice %arg6[%add3A_51] : memref<323584xf32, #tpu.memory_space<hbm>> -> memref<128xf32, #tpu.memory_space<hbm>>
        tpu.enqueue_dma source(%dma_start3A_63 : memref<128xf32, #tpu.memory_space<hbm>>) target(%arg12 : memref<128xf32, #tpu.memory_space<vmem>>) target_semaphore(%run_scoped3A : memref<!tpu.dma_semaphore, #tpu.memory_space<semaphore_mem>>)
        %dma_wait3A_64 = tpu.memref_slice %arg6[%add3A_51] : memref<323584xf32, #tpu.memory_space<hbm>> -> memref<128xf32, #tpu.memory_space<hbm>>
        %dma_wait3A_65 = tpu.memref_slice %arg6[%add3A_51] : memref<323584xf32, #tpu.memory_space<hbm>> -> memref<128xf32, #tpu.memory_space<hbm>>
        tpu.wait_dma2 semaphore(%run_scoped3A : memref<!tpu.dma_semaphore, #tpu.memory_space<semaphore_mem>>) src(%dma_wait3A_65 : memref<128xf32, #tpu.memory_space<hbm>>) dst(%arg12 : memref<128xf32, #tpu.memory_space<vmem>>)
        tpu.yield
      }) : () -> ()
      %dma_start3A = arith.constant 0 : i32
      %dma_start3A_52 = arith.constant 0 : i32
      %dma_start3A_53 = tpu.memref_slice %arg2[%dma_start3A, %dma_start3A_52] : memref<10000x128xf32, #tpu.memory_space<hbm>> -> memref<10000x128xf32, #tpu.memory_space<hbm>>
      tpu.enqueue_indirect_dma source(%dma_start3A_53 : memref<10000x128xf32, #tpu.memory_space<hbm>>) target(%arg13 : memref<128x128xf32, #tpu.memory_space<vmem>>) offsets(%arg9 : memref<128xi32, #tpu.memory_space<vmem>>) semaphore(%arg16 : memref<!tpu.dma_semaphore, #tpu.memory_space<semaphore_mem>>)
      %dma_wait3A = arith.constant 0 : i32
      %dma_wait3A_54 = arith.constant 0 : i32
      %dma_wait3A_55 = tpu.memref_slice %arg2[%dma_wait3A, %dma_wait3A_54] : memref<10000x128xf32, #tpu.memory_space<hbm>> -> memref<10000x128xf32, #tpu.memory_space<hbm>>
      tpu.wait_indirect_dma semaphore(%arg16 : memref<!tpu.dma_semaphore, #tpu.memory_space<semaphore_mem>>) src(%dma_wait3A_55 : memref<10000x128xf32, #tpu.memory_space<hbm>>) dst(%arg13 : memref<128x128xf32, #tpu.memory_space<vmem>>)
      %scan3A_56 = arith.constant 0 : i32
      %scan3A_57 = arith.constant 0 : i32
      %scan3A_58 = arith.constant 8 : i32
      %scan3A_59 = arith.addi %scan3A_57, %scan3A_58 : i32
      %scan3A_60 = arith.constant 1 : i32
      scf.for %scan3A_62 = %scan3A_57 to %scan3A_59 step %scan3A_60  : i32 {
        %mul3A_63 = arith.constant 16 : i32
        %mul3A_64 = arith.muli %scan3A_62, %mul3A_63 : i32
        %get3A_65 = arith.index_cast %mul3A_64 : i32 to index
        %get3A_66 = tpu.vector_load %arg12[%get3A_65] {strides = array<i32>} : memref<128xf32, #tpu.memory_space<vmem>>, vector<16xf32>,
        %get3A_67 = vector.shape_cast %get3A_66 : vector<16xf32> to vector<16xf32>
        %get3A_68 = arith.index_cast %mul3A_64 : i32 to index
        %get3A_69 = tpu.vector_load %arg11[%get3A_68] {strides = array<i32>} : memref<128xf32, #tpu.memory_space<vmem>>, vector<16xf32>,
        %get3A_70 = vector.shape_cast %get3A_69 : vector<16xf32> to vector<16xf32>
        %mul3A_71 = arith.mulf %neg3A_34, %get3A_70 : vector<16xf32>
        %exp3A = math.exp %mul3A_71 : vector<16xf32>
        %mul3A_72 = arith.mulf %get3A_67, %exp3A : vector<16xf32>
        %mul3A_73 = arith.constant 16 : i32
        %mul3A_74 = arith.muli %scan3A_62, %mul3A_73 : i32
        %add3A_75 = arith.constant 0 : i32
        %add3A_76 = arith.addi %mul3A_74, %add3A_75 : i32
        %slice3A = vector.extract_strided_slice %mul3A_72 {offsets = [0], sizes = [1], strides = [1]} : vector<16xf32> to vector<1xf32>
        %squeeze3A = vector.extract %slice3A[0] : f32 from vector<1xf32>
        %broadcast_in_dim3A = vector.broadcast %squeeze3A : f32 to vector<16xf32>
        %get3A_77 = arith.index_cast %add3A_76 : i32 to index
        %get3A_78 = arith.constant 0 : index
        %get3A_79 = tpu.vector_load %arg13[%get3A_77, %get3A_78] {strides = array<i32>} : memref<128x128xf32, #tpu.memory_space<vmem>>, vector<1x16xf32>,
        %get3A_80 = vector.shape_cast %get3A_79 : vector<1x16xf32> to vector<16xf32>
        %mul3A_81 = arith.mulf %get3A_80, %broadcast_in_dim3A : vector<16xf32>
        %swap3A = arith.index_cast %add3A_76 : i32 to index
        %swap3A_82 = arith.constant 0 : index
        %swap3A_83 = tpu.vector_load %arg13[%swap3A, %swap3A_82] {strides = array<i32>} : memref<128x128xf32, #tpu.memory_space<vmem>>, vector<1x16xf32>,
        %swap3A_84 = vector.shape_cast %swap3A_83 : vector<1x16xf32> to vector<16xf32>
        %swap3A_85 = vector.shape_cast %mul3A_81 : vector<16xf32> to vector<1x16xf32>
        tpu.vector_store %arg13[%swap3A, %swap3A_82], %swap3A_85 {strides = array<i32>} : memref<128x128xf32, #tpu.memory_space<vmem>>, vector<1x16xf32>,
        %get3A_86 = arith.index_cast %add3A_76 : i32 to index
        %get3A_87 = arith.constant 16 : index
        %get3A_88 = tpu.vector_load %arg13[%get3A_86, %get3A_87] {strides = array<i32>} : memref<128x128xf32, #tpu.memory_space<vmem>>, vector<1x16xf32>,
        %get3A_89 = vector.shape_cast %get3A_88 : vector<1x16xf32> to vector<16xf32>
        %mul3A_90 = arith.mulf %get3A_89, %broadcast_in_dim3A : vector<16xf32>
        %swap3A_91 = arith.index_cast %add3A_76 : i32 to index
        %swap3A_92 = arith.constant 16 : index
        %swap3A_93 = tpu.vector_load %arg13[%swap3A_91, %swap3A_92] {strides = array<i32>} : memref<128x128xf32, #tpu.memory_space<vmem>>, vector<1x16xf32>,
        %swap3A_94 = vector.shape_cast %swap3A_93 : vector<1x16xf32> to vector<16xf32>
        %swap3A_95 = vector.shape_cast %mul3A_90 : vector<16xf32> to vector<1x16xf32>
        tpu.vector_store %arg13[%swap3A_91, %swap3A_92], %swap3A_95 {strides = array<i32>} : memref<128x128xf32, #tpu.memory_space<vmem>>, vector<1x16xf32>,
        %get3A_96 = arith.index_cast %add3A_76 : i32 to index
        %get3A_97 = arith.constant 32 : index
        %get3A_98 = tpu.vector_load %arg13[%get3A_96, %get3A_97] {strides = array<i32>} : memref<128x128xf32, #tpu.memory_space<vmem>>, vector<1x16xf32>,
        %get3A_99 = vector.shape_cast %get3A_98 : vector<1x16xf32> to vector<16xf32>
        %mul3A_100 = arith.mulf %get3A_99, %broadcast_in_dim3A : vector<16xf32>
        %swap3A_101 = arith.index_cast %add3A_76 : i32 to index
        %swap3A_102 = arith.constant 32 : index
        %swap3A_103 = tpu.vector_load %arg13[%swap3A_101, %swap3A_102] {strides = array<i32>} : memref<128x128xf32, #tpu.memory_space<vmem>>, vector<1x16xf32>,
        %swap3A_104 = vector.shape_cast %swap3A_103 : vector<1x16xf32> to vector<16xf32>
        %swap3A_105 = vector.shape_cast %mul3A_100 : vector<16xf32> to vector<1x16xf32>
        tpu.vector_store %arg13[%swap3A_101, %swap3A_102], %swap3A_105 {strides = array<i32>} : memref<128x128xf32, #tpu.memory_space<vmem>>, vector<1x16xf32>,
        %get3A_106 = arith.index_cast %add3A_76 : i32 to index
        %get3A_107 = arith.constant 48 : index
        %get3A_108 = tpu.vector_load %arg13[%get3A_106, %get3A_107] {strides = array<i32>} : memref<128x128xf32, #tpu.memory_space<vmem>>, vector<1x16xf32>,
        %get3A_109 = vector.shape_cast %get3A_108 : vector<1x16xf32> to vector<16xf32>
        %mul3A_110 = arith.mulf %get3A_109, %broadcast_in_dim3A : vector<16xf32>
        %swap3A_111 = arith.index_cast %add3A_76 : i32 to index
        %swap3A_112 = arith.constant 48 : index
        %swap3A_113 = tpu.vector_load %arg13[%swap3A_111, %swap3A_112] {strides = array<i32>} : memref<128x128xf32, #tpu.memory_space<vmem>>, vector<1x16xf32>,
        %swap3A_114 = vector.shape_cast %swap3A_113 : vector<1x16xf32> to vector<16xf32>
        %swap3A_115 = vector.shape_cast %mul3A_110 : vector<16xf32> to vector<1x16xf32>
        tpu.vector_store %arg13[%swap3A_111, %swap3A_112], %swap3A_115 {strides = array<i32>} : memref<128x128xf32, #tpu.memory_space<vmem>>, vector<1x16xf32>,
        %get3A_116 = arith.index_cast %add3A_76 : i32 to index
        %get3A_117 = arith.constant 64 : index
        %get3A_118 = tpu.vector_load %arg13[%get3A_116, %get3A_117] {strides = array<i32>} : memref<128x128xf32, #tpu.memory_space<vmem>>, vector<1x16xf32>,
        %get3A_119 = vector.shape_cast %get3A_118 : vector<1x16xf32> to vector<16xf32>
        %mul3A_120 = arith.mulf %get3A_119, %broadcast_in_dim3A : vector<16xf32>
        %swap3A_121 = arith.index_cast %add3A_76 : i32 to index
        %swap3A_122 = arith.constant 64 : index
        %swap3A_123 = tpu.vector_load %arg13[%swap3A_121, %swap3A_122] {strides = array<i32>} : memref<128x128xf32, #tpu.memory_space<vmem>>, vector<1x16xf32>,
        %swap3A_124 = vector.shape_cast %swap3A_123 : vector<1x16xf32> to vector<16xf32>
        %swap3A_125 = vector.shape_cast %mul3A_120 : vector<16xf32> to vector<1x16xf32>
        tpu.vector_store %arg13[%swap3A_121, %swap3A_122], %swap3A_125 {strides = array<i32>} : memref<128x128xf32, #tpu.memory_space<vmem>>, vector<1x16xf32>,
        %get3A_126 = arith.index_cast %add3A_76 : i32 to index
        %get3A_127 = arith.constant 80 : index
        %get3A_128 = tpu.vector_load %arg13[%get3A_126, %get3A_127] {strides = array<i32>} : memref<128x128xf32, #tpu.memory_space<vmem>>, vector<1x16xf32>,
        %get3A_129 = vector.shape_cast %get3A_128 : vector<1x16xf32> to vector<16xf32>
        %mul3A_130 = arith.mulf %get3A_129, %broadcast_in_dim3A : vector<16xf32>
        %swap3A_131 = arith.index_cast %add3A_76 : i32 to index
        %swap3A_132 = arith.constant 80 : index
        %swap3A_133 = tpu.vector_load %arg13[%swap3A_131, %swap3A_132] {strides = array<i32>} : memref<128x128xf32, #tpu.memory_space<vmem>>, vector<1x16xf32>,
        %swap3A_134 = vector.shape_cast %swap3A_133 : vector<1x16xf32> to vector<16xf32>
        %swap3A_135 = vector.shape_cast %mul3A_130 : vector<16xf32> to vector<1x16xf32>
        tpu.vector_store %arg13[%swap3A_131, %swap3A_132], %swap3A_135 {strides = array<i32>} : memref<128x128xf32, #tpu.memory_space<vmem>>, vector<1x16xf32>,
        %get3A_136 = arith.index_cast %add3A_76 : i32 to index
        %get3A_137 = arith.constant 96 : index
        %get3A_138 = tpu.vector_load %arg13[%get3A_136, %get3A_137] {strides = array<i32>} : memref<128x128xf32, #tpu.memory_space<vmem>>, vector<1x16xf32>,
        %get3A_139 = vector.shape_cast %get3A_138 : vector<1x16xf32> to vector<16xf32>
        %mul3A_140 = arith.mulf %get3A_139, %broadcast_in_dim3A : vector<16xf32>
        %swap3A_141 = arith.index_cast %add3A_76 : i32 to index
        %swap3A_142 = arith.constant 96 : index
        %swap3A_143 = tpu.vector_load %arg13[%swap3A_141, %swap3A_142] {strides = array<i32>} : memref<128x128xf32, #tpu.memory_space<vmem>>, vector<1x16xf32>,
        %swap3A_144 = vector.shape_cast %swap3A_143 : vector<1x16xf32> to vector<16xf32>
        %swap3A_145 = vector.shape_cast %mul3A_140 : vector<16xf32> to vector<1x16xf32>
        tpu.vector_store %arg13[%swap3A_141, %swap3A_142], %swap3A_145 {strides = array<i32>} : memref<128x128xf32, #tpu.memory_space<vmem>>, vector<1x16xf32>,
        %get3A_146 = arith.index_cast %add3A_76 : i32 to index
        %get3A_147 = arith.constant 112 : index
        %get3A_148 = tpu.vector_load %arg13[%get3A_146, %get3A_147] {strides = array<i32>} : memref<128x128xf32, #tpu.memory_space<vmem>>, vector<1x16xf32>,
        %get3A_149 = vector.shape_cast %get3A_148 : vector<1x16xf32> to vector<16xf32>
        %mul3A_150 = arith.mulf %get3A_149, %broadcast_in_dim3A : vector<16xf32>
        %swap3A_151 = arith.index_cast %add3A_76 : i32 to index
        %swap3A_152 = arith.constant 112 : index
        %swap3A_153 = tpu.vector_load %arg13[%swap3A_151, %swap3A_152] {strides = array<i32>} : memref<128x128xf32, #tpu.memory_space<vmem>>, vector<1x16xf32>,
        %swap3A_154 = vector.shape_cast %swap3A_153 : vector<1x16xf32> to vector<16xf32>
        %swap3A_155 = vector.shape_cast %mul3A_150 : vector<16xf32> to vector<1x16xf32>
        tpu.vector_store %arg13[%swap3A_151, %swap3A_152], %swap3A_155 {strides = array<i32>} : memref<128x128xf32, #tpu.memory_space<vmem>>, vector<1x16xf32>,
        %mul3A_156 = arith.constant 16 : i32
        %mul3A_157 = arith.muli %scan3A_62, %mul3A_156 : i32
        %add3A_158 = arith.constant 1 : i32
        %add3A_159 = arith.addi %mul3A_157, %add3A_158 : i32
        %slice3A_160 = vector.extract_strided_slice %mul3A_72 {offsets = [1], sizes = [1], strides = [1]} : vector<16xf32> to vector<1xf32>
        %squeeze3A_161 = vector.extract %slice3A_160[0] : f32 from vector<1xf32>
        %broadcast_in_dim3A_162 = vector.broadcast %squeeze3A_161 : f32 to vector<16xf32>
        %get3A_163 = arith.index_cast %add3A_159 : i32 to index
        %get3A_164 = arith.constant 0 : index
        %get3A_165 = tpu.vector_load %arg13[%get3A_163, %get3A_164] {strides = array<i32>} : memref<128x128xf32, #tpu.memory_space<vmem>>, vector<1x16xf32>,
        %get3A_166 = vector.shape_cast %get3A_165 : vector<1x16xf32> to vector<16xf32>
        %mul3A_167 = arith.mulf %get3A_166, %broadcast_in_dim3A_162 : vector<16xf32>
        %swap3A_168 = arith.index_cast %add3A_159 : i32 to index
        %swap3A_169 = arith.constant 0 : index
        %swap3A_170 = tpu.vector_load %arg13[%swap3A_168, %swap3A_169] {strides = array<i32>} : memref<128x128xf32, #tpu.memory_space<vmem>>, vector<1x16xf32>,
        %swap3A_171 = vector.shape_cast %swap3A_170 : vector<1x16xf32> to vector<16xf32>
        %swap3A_172 = vector.shape_cast %mul3A_167 : vector<16xf32> to vector<1x16xf32>
        tpu.vector_store %arg13[%swap3A_168, %swap3A_169], %swap3A_172 {strides = array<i32>} : memref<128x128xf32, #tpu.memory_space<vmem>>, vector<1x16xf32>,
        %get3A_173 = arith.index_cast %add3A_159 : i32 to index
        %get3A_174 = arith.constant 16 : index
        %get3A_175 = tpu.vector_load %arg13[%get3A_173, %get3A_174] {strides = array<i32>} : memref<128x128xf32, #tpu.memory_space<vmem>>, vector<1x16xf32>,
        %get3A_176 = vector.shape_cast %get3A_175 : vector<1x16xf32> to vector<16xf32>
        %mul3A_177 = arith.mulf %get3A_176, %broadcast_in_dim3A_162 : vector<16xf32>
        %swap3A_178 = arith.index_cast %add3A_159 : i32 to index
        %swap3A_179 = arith.constant 16 : index
        %swap3A_180 = tpu.vector_load %arg13[%swap3A_178, %swap3A_179] {strides = array<i32>} : memref<128x128xf32, #tpu.memory_space<vmem>>, vector<1x16xf32>,
        %swap3A_181 = vector.shape_cast %swap3A_180 : vector<1x16xf32> to vector<16xf32>
        %swap3A_182 = vector.shape_cast %mul3A_177 : vector<16xf32> to vector<1x16xf32>
        tpu.vector_store %arg13[%swap3A_178, %swap3A_179], %swap3A_182 {strides = array<i32>} : memref<128x128xf32, #tpu.memory_space<vmem>>, vector<1x16xf32>,
        %get3A_183 = arith.index_cast %add3A_159 : i32 to index
        %get3A_184 = arith.constant 32 : index
        %get3A_185 = tpu.vector_load %arg13[%get3A_183, %get3A_184] {strides = array<i32>} : memref<128x128xf32, #tpu.memory_space<vmem>>, vector<1x16xf32>,
        %get3A_186 = vector.shape_cast %get3A_185 : vector<1x16xf32> to vector<16xf32>
        %mul3A_187 = arith.mulf %get3A_186, %broadcast_in_dim3A_162 : vector<16xf32>
        %swap3A_188 = arith.index_cast %add3A_159 : i32 to index
        %swap3A_189 = arith.constant 32 : index
        %swap3A_190 = tpu.vector_load %arg13[%swap3A_188, %swap3A_189] {strides = array<i32>} : memref<128x128xf32, #tpu.memory_space<vmem>>, vector<1x16xf32>,
        %swap3A_191 = vector.shape_cast %swap3A_190 : vector<1x16xf32> to vector<16xf32>
        %swap3A_192 = vector.shape_cast %mul3A_187 : vector<16xf32> to vector<1x16xf32>
        tpu.vector_store %arg13[%swap3A_188, %swap3A_189], %swap3A_192 {strides = array<i32>} : memref<128x128xf32, #tpu.memory_space<vmem>>, vector<1x16xf32>,
        %get3A_193 = arith.index_cast %add3A_159 : i32 to index
        %get3A_194 = arith.constant 48 : index
        %get3A_195 = tpu.vector_load %arg13[%get3A_193, %get3A_194] {strides = array<i32>} : memref<128x128xf32, #tpu.memory_space<vmem>>, vector<1x16xf32>,
        %get3A_196 = vector.shape_cast %get3A_195 : vector<1x16xf32> to vector<16xf32>
        %mul3A_197 = arith.mulf %get3A_196, %broadcast_in_dim3A_162 : vector<16xf32>
        %swap3A_198 = arith.index_cast %add3A_159 : i32 to index
        %swap3A_199 = arith.constant 48 : index
        %swap3A_200 = tpu.vector_load %arg13[%swap3A_198, %swap3A_199] {strides = array<i32>} : memref<128x128xf32, #tpu.memory_space<vmem>>, vector<1x16xf32>,
        %swap3A_201 = vector.shape_cast %swap3A_200 : vector<1x16xf32> to vector<16xf32>
        %swap3A_202 = vector.shape_cast %mul3A_197 : vector<16xf32> to vector<1x16xf32>
        tpu.vector_store %arg13[%swap3A_198, %swap3A_199], %swap3A_202 {strides = array<i32>} : memref<128x128xf32, #tpu.memory_space<vmem>>, vector<1x16xf32>,
        %get3A_203 = arith.index_cast %add3A_159 : i32 to index
        %get3A_204 = arith.constant 64 : index
        %get3A_205 = tpu.vector_load %arg13[%get3A_203, %get3A_204] {strides = array<i32>} : memref<128x128xf32, #tpu.memory_space<vmem>>, vector<1x16xf32>,
        %get3A_206 = vector.shape_cast %get3A_205 : vector<1x16xf32> to vector<16xf32>
        %mul3A_207 = arith.mulf %get3A_206, %broadcast_in_dim3A_162 : vector<16xf32>
        %swap3A_208 = arith.index_cast %add3A_159 : i32 to index
        %swap3A_209 = arith.constant 64 : index
        %swap3A_210 = tpu.vector_load %arg13[%swap3A_208, %swap3A_209] {strides = array<i32>} : memref<128x128xf32, #tpu.memory_space<vmem>>, vector<1x16xf32>,
        %swap3A_211 = vector.shape_cast %swap3A_210 : vector<1x16xf32> to vector<16xf32>
        %swap3A_212 = vector.shape_cast %mul3A_207 : vector<16xf32> to vector<1x16xf32>
        tpu.vector_store %arg13[%swap3A_208, %swap3A_209], %swap3A_212 {strides = array<i32>} : memref<128x128xf32, #tpu.memory_space<vmem>>, vector<1x16xf32>,
        %get3A_213 = arith.index_cast %add3A_159 : i32 to index
        %get3A_214 = arith.constant 80 : index
        %get3A_215 = tpu.vector_load %arg13[%get3A_213, %get3A_214] {strides = array<i32>} : memref<128x128xf32, #tpu.memory_space<vmem>>, vector<1x16xf32>,
        %get3A_216 = vector.shape_cast %get3A_215 : vector<1x16xf32> to vector<16xf32>
        %mul3A_217 = arith.mulf %get3A_216, %broadcast_in_dim3A_162 : vector<16xf32>
        %swap3A_218 = arith.index_cast %add3A_159 : i32 to index
        %swap3A_219 = arith.constant 80 : index
        %swap3A_220 = tpu.vector_load %arg13[%swap3A_218, %swap3A_219] {strides = array<i32>} : memref<128x128xf32, #tpu.memory_space<vmem>>, vector<1x16xf32>,
        %swap3A_221 = vector.shape_cast %swap3A_220 : vector<1x16xf32> to vector<16xf32>
        %swap3A_222 = vector.shape_cast %mul3A_217 : vector<16xf32> to vector<1x16xf32>
        tpu.vector_store %arg13[%swap3A_218, %swap3A_219], %swap3A_222 {strides = array<i32>} : memref<128x128xf32, #tpu.memory_space<vmem>>, vector<1x16xf32>,
        %get3A_223 = arith.index_cast %add3A_159 : i32 to index
        %get3A_224 = arith.constant 96 : index
        %get3A_225 = tpu.vector_load %arg13[%get3A_223, %get3A_224] {strides = array<i32>} : memref<128x128xf32, #tpu.memory_space<vmem>>, vector<1x16xf32>,
        %get3A_226 = vector.shape_cast %get3A_225 : vector<1x16xf32> to vector<16xf32>
        %mul3A_227 = arith.mulf %get3A_226, %broadcast_in_dim3A_162 : vector<16xf32>
        %swap3A_228 = arith.index_cast %add3A_159 : i32 to index
        %swap3A_229 = arith.constant 96 : index
        %swap3A_230 = tpu.vector_load %arg13[%swap3A_228, %swap3A_229] {strides = array<i32>} : memref<128x128xf32, #tpu.memory_space<vmem>>, vector<1x16xf32>,
        %swap3A_231 = vector.shape_cast %swap3A_230 : vector<1x16xf32> to vector<16xf32>
        %swap3A_232 = vector.shape_cast %mul3A_227 : vector<16xf32> to vector<1x16xf32>
        tpu.vector_store %arg13[%swap3A_228, %swap3A_229], %swap3A_232 {strides = array<i32>} : memref<128x128xf32, #tpu.memory_space<vmem>>, vector<1x16xf32>,
        %get3A_233 = arith.index_cast %add3A_159 : i32 to index
        %get3A_234 = arith.constant 112 : index
        %get3A_235 = tpu.vector_load %arg13[%get3A_233, %get3A_234] {strides = array<i32>} : memref<128x128xf32, #tpu.memory_space<vmem>>, vector<1x16xf32>,
        %get3A_236 = vector.shape_cast %get3A_235 : vector<1x16xf32> to vector<16xf32>
        %mul3A_237 = arith.mulf %get3A_236, %broadcast_in_dim3A_162 : vector<16xf32>
        %swap3A_238 = arith.index_cast %add3A_159 : i32 to index
        %swap3A_239 = arith.constant 112 : index
        %swap3A_240 = tpu.vector_load %arg13[%swap3A_238, %swap3A_239] {strides = array<i32>} : memref<128x128xf32, #tpu.memory_space<vmem>>, vector<1x16xf32>,
        %swap3A_241 = vector.shape_cast %swap3A_240 : vector<1x16xf32> to vector<16xf32>
        %swap3A_242 = vector.shape_cast %mul3A_237 : vector<16xf32> to vector<1x16xf32>
        tpu.vector_store %arg13[%swap3A_238, %swap3A_239], %swap3A_242 {strides = array<i32>} : memref<128x128xf32, #tpu.memory_space<vmem>>, vector<1x16xf32>,
        %mul3A_243 = arith.constant 16 : i32
        %mul3A_244 = arith.muli %scan3A_62, %mul3A_243 : i32
        %add3A_245 = arith.constant 2 : i32
        %add3A_246 = arith.addi %mul3A_244, %add3A_245 : i32
        %slice3A_247 = vector.extract_strided_slice %mul3A_72 {offsets = [2], sizes = [1], strides = [1]} : vector<16xf32> to vector<1xf32>
        %squeeze3A_248 = vector.extract %slice3A_247[0] : f32 from vector<1xf32>
        %broadcast_in_dim3A_249 = vector.broadcast %squeeze3A_248 : f32 to vector<16xf32>
        %get3A_250 = arith.index_cast %add3A_246 : i32 to index
        %get3A_251 = arith.constant 0 : index
        %get3A_252 = tpu.vector_load %arg13[%get3A_250, %get3A_251] {strides = array<i32>} : memref<128x128xf32, #tpu.memory_space<vmem>>, vector<1x16xf32>,
        %get3A_253 = vector.shape_cast %get3A_252 : vector<1x16xf32> to vector<16xf32>
        %mul3A_254 = arith.mulf %get3A_253, %broadcast_in_dim3A_249 : vector<16xf32>
        %swap3A_255 = arith.index_cast %add3A_246 : i32 to index
        %swap3A_256 = arith.constant 0 : index
        %swap3A_257 = tpu.vector_load %arg13[%swap3A_255, %swap3A_256] {strides = array<i32>} : memref<128x128xf32, #tpu.memory_space<vmem>>, vector<1x16xf32>,
        %swap3A_258 = vector.shape_cast %swap3A_257 : vector<1x16xf32> to vector<16xf32>
        %swap3A_259 = vector.shape_cast %mul3A_254 : vector<16xf32> to vector<1x16xf32>
        tpu.vector_store %arg13[%swap3A_255, %swap3A_256], %swap3A_259 {strides = array<i32>} : memref<128x128xf32, #tpu.memory_space<vmem>>, vector<1x16xf32>,
        %get3A_260 = arith.index_cast %add3A_246 : i32 to index
        %get3A_261 = arith.constant 16 : index
        %get3A_262 = tpu.vector_load %arg13[%get3A_260, %get3A_261] {strides = array<i32>} : memref<128x128xf32, #tpu.memory_space<vmem>>, vector<1x16xf32>,
        %get3A_263 = vector.shape_cast %get3A_262 : vector<1x16xf32> to vector<16xf32>
        %mul3A_264 = arith.mulf %get3A_263, %broadcast_in_dim3A_249 : vector<16xf32>
        %swap3A_265 = arith.index_cast %add3A_246 : i32 to index
        %swap3A_266 = arith.constant 16 : index
        %swap3A_267 = tpu.vector_load %arg13[%swap3A_265, %swap3A_266] {strides = array<i32>} : memref<128x128xf32, #tpu.memory_space<vmem>>, vector<1x16xf32>,
        %swap3A_268 = vector.shape_cast %swap3A_267 : vector<1x16xf32> to vector<16xf32>
        %swap3A_269 = vector.shape_cast %mul3A_264 : vector<16xf32> to vector<1x16xf32>
        tpu.vector_store %arg13[%swap3A_265, %swap3A_266], %swap3A_269 {strides = array<i32>} : memref<128x128xf32, #tpu.memory_space<vmem>>, vector<1x16xf32>,
        %get3A_270 = arith.index_cast %add3A_246 : i32 to index
        %get3A_271 = arith.constant 32 : index
        %get3A_272 = tpu.vector_load %arg13[%get3A_270, %get3A_271] {strides = array<i32>} : memref<128x128xf32, #tpu.memory_space<vmem>>, vector<1x16xf32>,
        %get3A_273 = vector.shape_cast %get3A_272 : vector<1x16xf32> to vector<16xf32>
        %mul3A_274 = arith.mulf %get3A_273, %broadcast_in_dim3A_249 : vector<16xf32>
        %swap3A_275 = arith.index_cast %add3A_246 : i32 to index
        %swap3A_276 = arith.constant 32 : index
        %swap3A_277 = tpu.vector_load %arg13[%swap3A_275, %swap3A_276] {strides = array<i32>} : memref<128x128xf32, #tpu.memory_space<vmem>>, vector<1x16xf32>,
        %swap3A_278 = vector.shape_cast %swap3A_277 : vector<1x16xf32> to vector<16xf32>
        %swap3A_279 = vector.shape_cast %mul3A_274 : vector<16xf32> to vector<1x16xf32>
        tpu.vector_store %arg13[%swap3A_275, %swap3A_276], %swap3A_279 {strides = array<i32>} : memref<128x128xf32, #tpu.memory_space<vmem>>, vector<1x16xf32>,
        %get3A_280 = arith.index_cast %add3A_246 : i32 to index
        %get3A_281 = arith.constant 48 : index
        %get3A_282 = tpu.vector_load %arg13[%get3A_280, %get3A_281] {strides = array<i32>} : memref<128x128xf32, #tpu.memory_space<vmem>>, vector<1x16xf32>,
        %get3A_283 = vector.shape_cast %get3A_282 : vector<1x16xf32> to vector<16xf32>
        %mul3A_284 = arith.mulf %get3A_283, %broadcast_in_dim3A_249 : vector<16xf32>
        %swap3A_285 = arith.index_cast %add3A_246 : i32 to index
        %swap3A_286 = arith.constant 48 : index
        %swap3A_287 = tpu.vector_load %arg13[%swap3A_285, %swap3A_286] {strides = array<i32>} : memref<128x128xf32, #tpu.memory_space<vmem>>, vector<1x16xf32>,
        %swap3A_288 = vector.shape_cast %swap3A_287 : vector<1x16xf32> to vector<16xf32>
        %swap3A_289 = vector.shape_cast %mul3A_284 : vector<16xf32> to vector<1x16xf32>
        tpu.vector_store %arg13[%swap3A_285, %swap3A_286], %swap3A_289 {strides = array<i32>} : memref<128x128xf32, #tpu.memory_space<vmem>>, vector<1x16xf32>,
        %get3A_290 = arith.index_cast %add3A_246 : i32 to index
        %get3A_291 = arith.constant 64 : index
        %get3A_292 = tpu.vector_load %arg13[%get3A_290, %get3A_291] {strides = array<i32>} : memref<128x128xf32, #tpu.memory_space<vmem>>, vector<1x16xf32>,
        %get3A_293 = vector.shape_cast %get3A_292 : vector<1x16xf32> to vector<16xf32>
        %mul3A_294 = arith.mulf %get3A_293, %broadcast_in_dim3A_249 : vector<16xf32>
        %swap3A_295 = arith.index_cast %add3A_246 : i32 to index
        %swap3A_296 = arith.constant 64 : index
        %swap3A_297 = tpu.vector_load %arg13[%swap3A_295, %swap3A_296] {strides = array<i32>} : memref<128x128xf32, #tpu.memory_space<vmem>>, vector<1x16xf32>,
        %swap3A_298 = vector.shape_cast %swap3A_297 : vector<1x16xf32> to vector<16xf32>
        %swap3A_299 = vector.shape_cast %mul3A_294 : vector<16xf32> to vector<1x16xf32>
        tpu.vector_store %arg13[%swap3A_295, %swap3A_296], %swap3A_299 {strides = array<i32>} : memref<128x128xf32, #tpu.memory_space<vmem>>, vector<1x16xf32>,
        %get3A_300 = arith.index_cast %add3A_246 : i32 to index
        %get3A_301 = arith.constant 80 : index
        %get3A_302 = tpu.vector_load %arg13[%get3A_300, %get3A_301] {strides = array<i32>} : memref<128x128xf32, #tpu.memory_space<vmem>>, vector<1x16xf32>,
        %get3A_303 = vector.shape_cast %get3A_302 : vector<1x16xf32> to vector<16xf32>
        %mul3A_304 = arith.mulf %get3A_303, %broadcast_in_dim3A_249 : vector<16xf32>
        %swap3A_305 = arith.index_cast %add3A_246 : i32 to index
        %swap3A_306 = arith.constant 80 : index
        %swap3A_307 = tpu.vector_load %arg13[%swap3A_305, %swap3A_306] {strides = array<i32>} : memref<128x128xf32, #tpu.memory_space<vmem>>, vector<1x16xf32>,
        %swap3A_308 = vector.shape_cast %swap3A_307 : vector<1x16xf32> to vector<16xf32>
        %swap3A_309 = vector.shape_cast %mul3A_304 : vector<16xf32> to vector<1x16xf32>
        tpu.vector_store %arg13[%swap3A_305, %swap3A_306], %swap3A_309 {strides = array<i32>} : memref<128x128xf32, #tpu.memory_space<vmem>>, vector<1x16xf32>,
        %get3A_310 = arith.index_cast %add3A_246 : i32 to index
        %get3A_311 = arith.constant 96 : index
        %get3A_312 = tpu.vector_load %arg13[%get3A_310, %get3A_311] {strides = array<i32>} : memref<128x128xf32, #tpu.memory_space<vmem>>, vector<1x16xf32>,
        %get3A_313 = vector.shape_cast %get3A_312 : vector<1x16xf32> to vector<16xf32>
        %mul3A_314 = arith.mulf %get3A_313, %broadcast_in_dim3A_249 : vector<16xf32>
        %swap3A_315 = arith.index_cast %add3A_246 : i32 to index
        %swap3A_316 = arith.constant 96 : index
        %swap3A_317 = tpu.vector_load %arg13[%swap3A_315, %swap3A_316] {strides = array<i32>} : memref<128x128xf32, #tpu.memory_space<vmem>>, vector<1x16xf32>,
        %swap3A_318 = vector.shape_cast %swap3A_317 : vector<1x16xf32> to vector<16xf32>
        %swap3A_319 = vector.shape_cast %mul3A_314 : vector<16xf32> to vector<1x16xf32>
        tpu.vector_store %arg13[%swap3A_315, %swap3A_316], %swap3A_319 {strides = array<i32>} : memref<128x128xf32, #tpu.memory_space<vmem>>, vector<1x16xf32>,
        %get3A_320 = arith.index_cast %add3A_246 : i32 to index
        %get3A_321 = arith.constant 112 : index
        %get3A_322 = tpu.vector_load %arg13[%get3A_320, %get3A_321] {strides = array<i32>} : memref<128x128xf32, #tpu.memory_space<vmem>>, vector<1x16xf32>,
        %get3A_323 = vector.shape_cast %get3A_322 : vector<1x16xf32> to vector<16xf32>
        %mul3A_324 = arith.mulf %get3A_323, %broadcast_in_dim3A_249 : vector<16xf32>
        %swap3A_325 = arith.index_cast %add3A_246 : i32 to index
        %swap3A_326 = arith.constant 112 : index
        %swap3A_327 = tpu.vector_load %arg13[%swap3A_325, %swap3A_326] {strides = array<i32>} : memref<128x128xf32, #tpu.memory_space<vmem>>, vector<1x16xf32>,
        %swap3A_328 = vector.shape_cast %swap3A_327 : vector<1x16xf32> to vector<16xf32>
        %swap3A_329 = vector.shape_cast %mul3A_324 : vector<16xf32> to vector<1x16xf32>
        tpu.vector_store %arg13[%swap3A_325, %swap3A_326], %swap3A_329 {strides = array<i32>} : memref<128x128xf32, #tpu.memory_space<vmem>>, vector<1x16xf32>,
        %mul3A_330 = arith.constant 16 : i32
        %mul3A_331 = arith.muli %scan3A_62, %mul3A_330 : i32
        %add3A_332 = arith.constant 3 : i32
        %add3A_333 = arith.addi %mul3A_331, %add3A_332 : i32
        %slice3A_334 = vector.extract_strided_slice %mul3A_72 {offsets = [3], sizes = [1], strides = [1]} : vector<16xf32> to vector<1xf32>
        %squeeze3A_335 = vector.extract %slice3A_334[0] : f32 from vector<1xf32>
        %broadcast_in_dim3A_336 = vector.broadcast %squeeze3A_335 : f32 to vector<16xf32>
        %get3A_337 = arith.index_cast %add3A_333 : i32 to index
        %get3A_338 = arith.constant 0 : index
        %get3A_339 = tpu.vector_load %arg13[%get3A_337, %get3A_338] {strides = array<i32>} : memref<128x128xf32, #tpu.memory_space<vmem>>, vector<1x16xf32>,
        %get3A_340 = vector.shape_cast %get3A_339 : vector<1x16xf32> to vector<16xf32>
        %mul3A_341 = arith.mulf %get3A_340, %broadcast_in_dim3A_336 : vector<16xf32>
        %swap3A_342 = arith.index_cast %add3A_333 : i32 to index
        %swap3A_343 = arith.constant 0 : index
        %swap3A_344 = tpu.vector_load %arg13[%swap3A_342, %swap3A_343] {strides = array<i32>} : memref<128x128xf32, #tpu.memory_space<vmem>>, vector<1x16xf32>,
        %swap3A_345 = vector.shape_cast %swap3A_344 : vector<1x16xf32> to vector<16xf32>
        %swap3A_346 = vector.shape_cast %mul3A_341 : vector<16xf32> to vector<1x16xf32>
        tpu.vector_store %arg13[%swap3A_342, %swap3A_343], %swap3A_346 {strides = array<i32>} : memref<128x128xf32, #tpu.memory_space<vmem>>, vector<1x16xf32>,
        %get3A_347 = arith.index_cast %add3A_333 : i32 to index
        %get3A_348 = arith.constant 16 : index
        %get3A_349 = tpu.vector_load %arg13[%get3A_347, %get3A_348] {strides = array<i32>} : memref<128x128xf32, #tpu.memory_space<vmem>>, vector<1x16xf32>,
        %get3A_350 = vector.shape_cast %get3A_349 : vector<1x16xf32> to vector<16xf32>
        %mul3A_351 = arith.mulf %get3A_350, %broadcast_in_dim3A_336 : vector<16xf32>
        %swap3A_352 = arith.index_cast %add3A_333 : i32 to index
        %swap3A_353 = arith.constant 16 : index
        %swap3A_354 = tpu.vector_load %arg13[%swap3A_352, %swap3A_353] {strides = array<i32>} : memref<128x128xf32, #tpu.memory_space<vmem>>, vector<1x16xf32>,
        %swap3A_355 = vector.shape_cast %swap3A_354 : vector<1x16xf32> to vector<16xf32>
        %swap3A_356 = vector.shape_cast %mul3A_351 : vector<16xf32> to vector<1x16xf32>
        tpu.vector_store %arg13[%swap3A_352, %swap3A_353], %swap3A_356 {strides = array<i32>} : memref<128x128xf32, #tpu.memory_space<vmem>>, vector<1x16xf32>,
        %get3A_357 = arith.index_cast %add3A_333 : i32 to index
        %get3A_358 = arith.constant 32 : index
        %get3A_359 = tpu.vector_load %arg13[%get3A_357, %get3A_358] {strides = array<i32>} : memref<128x128xf32, #tpu.memory_space<vmem>>, vector<1x16xf32>,
        %get3A_360 = vector.shape_cast %get3A_359 : vector<1x16xf32> to vector<16xf32>
        %mul3A_361 = arith.mulf %get3A_360, %broadcast_in_dim3A_336 : vector<16xf32>
        %swap3A_362 = arith.index_cast %add3A_333 : i32 to index
        %swap3A_363 = arith.constant 32 : index
        %swap3A_364 = tpu.vector_load %arg13[%swap3A_362, %swap3A_363] {strides = array<i32>} : memref<128x128xf32, #tpu.memory_space<vmem>>, vector<1x16xf32>,
        %swap3A_365 = vector.shape_cast %swap3A_364 : vector<1x16xf32> to vector<16xf32>
        %swap3A_366 = vector.shape_cast %mul3A_361 : vector<16xf32> to vector<1x16xf32>
        tpu.vector_store %arg13[%swap3A_362, %swap3A_363], %swap3A_366 {strides = array<i32>} : memref<128x128xf32, #tpu.memory_space<vmem>>, vector<1x16xf32>,
        %get3A_367 = arith.index_cast %add3A_333 : i32 to index
        %get3A_368 = arith.constant 48 : index
        %get3A_369 = tpu.vector_load %arg13[%get3A_367, %get3A_368] {strides = array<i32>} : memref<128x128xf32, #tpu.memory_space<vmem>>, vector<1x16xf32>,
        %get3A_370 = vector.shape_cast %get3A_369 : vector<1x16xf32> to vector<16xf32>
        %mul3A_371 = arith.mulf %get3A_370, %broadcast_in_dim3A_336 : vector<16xf32>
        %swap3A_372 = arith.index_cast %add3A_333 : i32 to index
        %swap3A_373 = arith.constant 48 : index
        %swap3A_374 = tpu.vector_load %arg13[%swap3A_372, %swap3A_373] {strides = array<i32>} : memref<128x128xf32, #tpu.memory_space<vmem>>, vector<1x16xf32>,
        %swap3A_375 = vector.shape_cast %swap3A_374 : vector<1x16xf32> to vector<16xf32>
        %swap3A_376 = vector.shape_cast %mul3A_371 : vector<16xf32> to vector<1x16xf32>
        tpu.vector_store %arg13[%swap3A_372, %swap3A_373], %swap3A_376 {strides = array<i32>} : memref<128x128xf32, #tpu.memory_space<vmem>>, vector<1x16xf32>,
        %get3A_377 = arith.index_cast %add3A_333 : i32 to index
        %get3A_378 = arith.constant 64 : index
        %get3A_379 = tpu.vector_load %arg13[%get3A_377, %get3A_378] {strides = array<i32>} : memref<128x128xf32, #tpu.memory_space<vmem>>, vector<1x16xf32>,
        %get3A_380 = vector.shape_cast %get3A_379 : vector<1x16xf32> to vector<16xf32>
        %mul3A_381 = arith.mulf %get3A_380, %broadcast_in_dim3A_336 : vector<16xf32>
        %swap3A_382 = arith.index_cast %add3A_333 : i32 to index
        %swap3A_383 = arith.constant 64 : index
        %swap3A_384 = tpu.vector_load %arg13[%swap3A_382, %swap3A_383] {strides = array<i32>} : memref<128x128xf32, #tpu.memory_space<vmem>>, vector<1x16xf32>,
        %swap3A_385 = vector.shape_cast %swap3A_384 : vector<1x16xf32> to vector<16xf32>
        %swap3A_386 = vector.shape_cast %mul3A_381 : vector<16xf32> to vector<1x16xf32>
        tpu.vector_store %arg13[%swap3A_382, %swap3A_383], %swap3A_386 {strides = array<i32>} : memref<128x128xf32, #tpu.memory_space<vmem>>, vector<1x16xf32>,
        %get3A_387 = arith.index_cast %add3A_333 : i32 to index
        %get3A_388 = arith.constant 80 : index
        %get3A_389 = tpu.vector_load %arg13[%get3A_387, %get3A_388] {strides = array<i32>} : memref<128x128xf32, #tpu.memory_space<vmem>>, vector<1x16xf32>,
        %get3A_390 = vector.shape_cast %get3A_389 : vector<1x16xf32> to vector<16xf32>
        %mul3A_391 = arith.mulf %get3A_390, %broadcast_in_dim3A_336 : vector<16xf32>
        %swap3A_392 = arith.index_cast %add3A_333 : i32 to index
        %swap3A_393 = arith.constant 80 : index
        %swap3A_394 = tpu.vector_load %arg13[%swap3A_392, %swap3A_393] {strides = array<i32>} : memref<128x128xf32, #tpu.memory_space<vmem>>, vector<1x16xf32>,
        %swap3A_395 = vector.shape_cast %swap3A_394 : vector<1x16xf32> to vector<16xf32>
        %swap3A_396 = vector.shape_cast %mul3A_391 : vector<16xf32> to vector<1x16xf32>
        tpu.vector_store %arg13[%swap3A_392, %swap3A_393], %swap3A_396 {strides = array<i32>} : memref<128x128xf32, #tpu.memory_space<vmem>>, vector<1x16xf32>,
        %get3A_397 = arith.index_cast %add3A_333 : i32 to index
        %get3A_398 = arith.constant 96 : index
        %get3A_399 = tpu.vector_load %arg13[%get3A_397, %get3A_398] {strides = array<i32>} : memref<128x128xf32, #tpu.memory_space<vmem>>, vector<1x16xf32>,
        %get3A_400 = vector.shape_cast %get3A_399 : vector<1x16xf32> to vector<16xf32>
        %mul3A_401 = arith.mulf %get3A_400, %broadcast_in_dim3A_336 : vector<16xf32>
        %swap3A_402 = arith.index_cast %add3A_333 : i32 to index
        %swap3A_403 = arith.constant 96 : index
        %swap3A_404 = tpu.vector_load %arg13[%swap3A_402, %swap3A_403] {strides = array<i32>} : memref<128x128xf32, #tpu.memory_space<vmem>>, vector<1x16xf32>,
        %swap3A_405 = vector.shape_cast %swap3A_404 : vector<1x16xf32> to vector<16xf32>
        %swap3A_406 = vector.shape_cast %mul3A_401 : vector<16xf32> to vector<1x16xf32>
        tpu.vector_store %arg13[%swap3A_402, %swap3A_403], %swap3A_406 {strides = array<i32>} : memref<128x128xf32, #tpu.memory_space<vmem>>, vector<1x16xf32>,
        %get3A_407 = arith.index_cast %add3A_333 : i32 to index
        %get3A_408 = arith.constant 112 : index
        %get3A_409 = tpu.vector_load %arg13[%get3A_407, %get3A_408] {strides = array<i32>} : memref<128x128xf32, #tpu.memory_space<vmem>>, vector<1x16xf32>,
        %get3A_410 = vector.shape_cast %get3A_409 : vector<1x16xf32> to vector<16xf32>
        %mul3A_411 = arith.mulf %get3A_410, %broadcast_in_dim3A_336 : vector<16xf32>
        %swap3A_412 = arith.index_cast %add3A_333 : i32 to index
        %swap3A_413 = arith.constant 112 : index
        %swap3A_414 = tpu.vector_load %arg13[%swap3A_412, %swap3A_413] {strides = array<i32>} : memref<128x128xf32, #tpu.memory_space<vmem>>, vector<1x16xf32>,
        %swap3A_415 = vector.shape_cast %swap3A_414 : vector<1x16xf32> to vector<16xf32>
        %swap3A_416 = vector.shape_cast %mul3A_411 : vector<16xf32> to vector<1x16xf32>
        tpu.vector_store %arg13[%swap3A_412, %swap3A_413], %swap3A_416 {strides = array<i32>} : memref<128x128xf32, #tpu.memory_space<vmem>>, vector<1x16xf32>,
        %mul3A_417 = arith.constant 16 : i32
        %mul3A_418 = arith.muli %scan3A_62, %mul3A_417 : i32
        %add3A_419 = arith.constant 4 : i32
        %add3A_420 = arith.addi %mul3A_418, %add3A_419 : i32
        %slice3A_421 = vector.extract_strided_slice %mul3A_72 {offsets = [4], sizes = [1], strides = [1]} : vector<16xf32> to vector<1xf32>
        %squeeze3A_422 = vector.extract %slice3A_421[0] : f32 from vector<1xf32>
        %broadcast_in_dim3A_423 = vector.broadcast %squeeze3A_422 : f32 to vector<16xf32>
        %get3A_424 = arith.index_cast %add3A_420 : i32 to index
        %get3A_425 = arith.constant 0 : index
        %get3A_426 = tpu.vector_load %arg13[%get3A_424, %get3A_425] {strides = array<i32>} : memref<128x128xf32, #tpu.memory_space<vmem>>, vector<1x16xf32>,
        %get3A_427 = vector.shape_cast %get3A_426 : vector<1x16xf32> to vector<16xf32>
        %mul3A_428 = arith.mulf %get3A_427, %broadcast_in_dim3A_423 : vector<16xf32>
        %swap3A_429 = arith.index_cast %add3A_420 : i32 to index
        %swap3A_430 = arith.constant 0 : index
        %swap3A_431 = tpu.vector_load %arg13[%swap3A_429, %swap3A_430] {strides = array<i32>} : memref<128x128xf32, #tpu.memory_space<vmem>>, vector<1x16xf32>,
        %swap3A_432 = vector.shape_cast %swap3A_431 : vector<1x16xf32> to vector<16xf32>
        %swap3A_433 = vector.shape_cast %mul3A_428 : vector<16xf32> to vector<1x16xf32>
        tpu.vector_store %arg13[%swap3A_429, %swap3A_430], %swap3A_433 {strides = array<i32>} : memref<128x128xf32, #tpu.memory_space<vmem>>, vector<1x16xf32>,
        %get3A_434 = arith.index_cast %add3A_420 : i32 to index
        %get3A_435 = arith.constant 16 : index
        %get3A_436 = tpu.vector_load %arg13[%get3A_434, %get3A_435] {strides = array<i32>} : memref<128x128xf32, #tpu.memory_space<vmem>>, vector<1x16xf32>,
        %get3A_437 = vector.shape_cast %get3A_436 : vector<1x16xf32> to vector<16xf32>
        %mul3A_438 = arith.mulf %get3A_437, %broadcast_in_dim3A_423 : vector<16xf32>
        %swap3A_439 = arith.index_cast %add3A_420 : i32 to index
        %swap3A_440 = arith.constant 16 : index
        %swap3A_441 = tpu.vector_load %arg13[%swap3A_439, %swap3A_440] {strides = array<i32>} : memref<128x128xf32, #tpu.memory_space<vmem>>, vector<1x16xf32>,
        %swap3A_442 = vector.shape_cast %swap3A_441 : vector<1x16xf32> to vector<16xf32>
        %swap3A_443 = vector.shape_cast %mul3A_438 : vector<16xf32> to vector<1x16xf32>
        tpu.vector_store %arg13[%swap3A_439, %swap3A_440], %swap3A_443 {strides = array<i32>} : memref<128x128xf32, #tpu.memory_space<vmem>>, vector<1x16xf32>,
        %get3A_444 = arith.index_cast %add3A_420 : i32 to index
        %get3A_445 = arith.constant 32 : index
        %get3A_446 = tpu.vector_load %arg13[%get3A_444, %get3A_445] {strides = array<i32>} : memref<128x128xf32, #tpu.memory_space<vmem>>, vector<1x16xf32>,
        %get3A_447 = vector.shape_cast %get3A_446 : vector<1x16xf32> to vector<16xf32>
        %mul3A_448 = arith.mulf %get3A_447, %broadcast_in_dim3A_423 : vector<16xf32>
        %swap3A_449 = arith.index_cast %add3A_420 : i32 to index
        %swap3A_450 = arith.constant 32 : index
        %swap3A_451 = tpu.vector_load %arg13[%swap3A_449, %swap3A_450] {strides = array<i32>} : memref<128x128xf32, #tpu.memory_space<vmem>>, vector<1x16xf32>,
        %swap3A_452 = vector.shape_cast %swap3A_451 : vector<1x16xf32> to vector<16xf32>
        %swap3A_453 = vector.shape_cast %mul3A_448 : vector<16xf32> to vector<1x16xf32>
        tpu.vector_store %arg13[%swap3A_449, %swap3A_450], %swap3A_453 {strides = array<i32>} : memref<128x128xf32, #tpu.memory_space<vmem>>, vector<1x16xf32>,
        %get3A_454 = arith.index_cast %add3A_420 : i32 to index
        %get3A_455 = arith.constant 48 : index
        %get3A_456 = tpu.vector_load %arg13[%get3A_454, %get3A_455] {strides = array<i32>} : memref<128x128xf32, #tpu.memory_space<vmem>>, vector<1x16xf32>,
        %get3A_457 = vector.shape_cast %get3A_456 : vector<1x16xf32> to vector<16xf32>
        %mul3A_458 = arith.mulf %get3A_457, %broadcast_in_dim3A_423 : vector<16xf32>
        %swap3A_459 = arith.index_cast %add3A_420 : i32 to index
        %swap3A_460 = arith.constant 48 : index
        %swap3A_461 = tpu.vector_load %arg13[%swap3A_459, %swap3A_460] {strides = array<i32>} : memref<128x128xf32, #tpu.memory_space<vmem>>, vector<1x16xf32>,
        %swap3A_462 = vector.shape_cast %swap3A_461 : vector<1x16xf32> to vector<16xf32>
        %swap3A_463 = vector.shape_cast %mul3A_458 : vector<16xf32> to vector<1x16xf32>
        tpu.vector_store %arg13[%swap3A_459, %swap3A_460], %swap3A_463 {strides = array<i32>} : memref<128x128xf32, #tpu.memory_space<vmem>>, vector<1x16xf32>,
        %get3A_464 = arith.index_cast %add3A_420 : i32 to index
        %get3A_465 = arith.constant 64 : index
        %get3A_466 = tpu.vector_load %arg13[%get3A_464, %get3A_465] {strides = array<i32>} : memref<128x128xf32, #tpu.memory_space<vmem>>, vector<1x16xf32>,
        %get3A_467 = vector.shape_cast %get3A_466 : vector<1x16xf32> to vector<16xf32>
        %mul3A_468 = arith.mulf %get3A_467, %broadcast_in_dim3A_423 : vector<16xf32>
        %swap3A_469 = arith.index_cast %add3A_420 : i32 to index
        %swap3A_470 = arith.constant 64 : index
        %swap3A_471 = tpu.vector_load %arg13[%swap3A_469, %swap3A_470] {strides = array<i32>} : memref<128x128xf32, #tpu.memory_space<vmem>>, vector<1x16xf32>,
        %swap3A_472 = vector.shape_cast %swap3A_471 : vector<1x16xf32> to vector<16xf32>
        %swap3A_473 = vector.shape_cast %mul3A_468 : vector<16xf32> to vector<1x16xf32>
        tpu.vector_store %arg13[%swap3A_469, %swap3A_470], %swap3A_473 {strides = array<i32>} : memref<128x128xf32, #tpu.memory_space<vmem>>, vector<1x16xf32>,
        %get3A_474 = arith.index_cast %add3A_420 : i32 to index
        %get3A_475 = arith.constant 80 : index
        %get3A_476 = tpu.vector_load %arg13[%get3A_474, %get3A_475] {strides = array<i32>} : memref<128x128xf32, #tpu.memory_space<vmem>>, vector<1x16xf32>,
        %get3A_477 = vector.shape_cast %get3A_476 : vector<1x16xf32> to vector<16xf32>
        %mul3A_478 = arith.mulf %get3A_477, %broadcast_in_dim3A_423 : vector<16xf32>
        %swap3A_479 = arith.index_cast %add3A_420 : i32 to index
        %swap3A_480 = arith.constant 80 : index
        %swap3A_481 = tpu.vector_load %arg13[%swap3A_479, %swap3A_480] {strides = array<i32>} : memref<128x128xf32, #tpu.memory_space<vmem>>, vector<1x16xf32>,
        %swap3A_482 = vector.shape_cast %swap3A_481 : vector<1x16xf32> to vector<16xf32>
        %swap3A_483 = vector.shape_cast %mul3A_478 : vector<16xf32> to vector<1x16xf32>
        tpu.vector_store %arg13[%swap3A_479, %swap3A_480], %swap3A_483 {strides = array<i32>} : memref<128x128xf32, #tpu.memory_space<vmem>>, vector<1x16xf32>,
        %get3A_484 = arith.index_cast %add3A_420 : i32 to index
        %get3A_485 = arith.constant 96 : index
        %get3A_486 = tpu.vector_load %arg13[%get3A_484, %get3A_485] {strides = array<i32>} : memref<128x128xf32, #tpu.memory_space<vmem>>, vector<1x16xf32>,
        %get3A_487 = vector.shape_cast %get3A_486 : vector<1x16xf32> to vector<16xf32>
        %mul3A_488 = arith.mulf %get3A_487, %broadcast_in_dim3A_423 : vector<16xf32>
        %swap3A_489 = arith.index_cast %add3A_420 : i32 to index
        %swap3A_490 = arith.constant 96 : index
        %swap3A_491 = tpu.vector_load %arg13[%swap3A_489, %swap3A_490] {strides = array<i32>} : memref<128x128xf32, #tpu.memory_space<vmem>>, vector<1x16xf32>,
        %swap3A_492 = vector.shape_cast %swap3A_491 : vector<1x16xf32> to vector<16xf32>
        %swap3A_493 = vector.shape_cast %mul3A_488 : vector<16xf32> to vector<1x16xf32>
        tpu.vector_store %arg13[%swap3A_489, %swap3A_490], %swap3A_493 {strides = array<i32>} : memref<128x128xf32, #tpu.memory_space<vmem>>, vector<1x16xf32>,
        %get3A_494 = arith.index_cast %add3A_420 : i32 to index
        %get3A_495 = arith.constant 112 : index
        %get3A_496 = tpu.vector_load %arg13[%get3A_494, %get3A_495] {strides = array<i32>} : memref<128x128xf32, #tpu.memory_space<vmem>>, vector<1x16xf32>,
        %get3A_497 = vector.shape_cast %get3A_496 : vector<1x16xf32> to vector<16xf32>
        %mul3A_498 = arith.mulf %get3A_497, %broadcast_in_dim3A_423 : vector<16xf32>
        %swap3A_499 = arith.index_cast %add3A_420 : i32 to index
        %swap3A_500 = arith.constant 112 : index
        %swap3A_501 = tpu.vector_load %arg13[%swap3A_499, %swap3A_500] {strides = array<i32>} : memref<128x128xf32, #tpu.memory_space<vmem>>, vector<1x16xf32>,
        %swap3A_502 = vector.shape_cast %swap3A_501 : vector<1x16xf32> to vector<16xf32>
        %swap3A_503 = vector.shape_cast %mul3A_498 : vector<16xf32> to vector<1x16xf32>
        tpu.vector_store %arg13[%swap3A_499, %swap3A_500], %swap3A_503 {strides = array<i32>} : memref<128x128xf32, #tpu.memory_space<vmem>>, vector<1x16xf32>,
        %mul3A_504 = arith.constant 16 : i32
        %mul3A_505 = arith.muli %scan3A_62, %mul3A_504 : i32
        %add3A_506 = arith.constant 5 : i32
        %add3A_507 = arith.addi %mul3A_505, %add3A_506 : i32
        %slice3A_508 = vector.extract_strided_slice %mul3A_72 {offsets = [5], sizes = [1], strides = [1]} : vector<16xf32> to vector<1xf32>
        %squeeze3A_509 = vector.extract %slice3A_508[0] : f32 from vector<1xf32>
        %broadcast_in_dim3A_510 = vector.broadcast %squeeze3A_509 : f32 to vector<16xf32>
        %get3A_511 = arith.index_cast %add3A_507 : i32 to index
        %get3A_512 = arith.constant 0 : index
        %get3A_513 = tpu.vector_load %arg13[%get3A_511, %get3A_512] {strides = array<i32>} : memref<128x128xf32, #tpu.memory_space<vmem>>, vector<1x16xf32>,
        %get3A_514 = vector.shape_cast %get3A_513 : vector<1x16xf32> to vector<16xf32>
        %mul3A_515 = arith.mulf %get3A_514, %broadcast_in_dim3A_510 : vector<16xf32>
        %swap3A_516 = arith.index_cast %add3A_507 : i32 to index
        %swap3A_517 = arith.constant 0 : index
        %swap3A_518 = tpu.vector_load %arg13[%swap3A_516, %swap3A_517] {strides = array<i32>} : memref<128x128xf32, #tpu.memory_space<vmem>>, vector<1x16xf32>,
        %swap3A_519 = vector.shape_cast %swap3A_518 : vector<1x16xf32> to vector<16xf32>
        %swap3A_520 = vector.shape_cast %mul3A_515 : vector<16xf32> to vector<1x16xf32>
        tpu.vector_store %arg13[%swap3A_516, %swap3A_517], %swap3A_520 {strides = array<i32>} : memref<128x128xf32, #tpu.memory_space<vmem>>, vector<1x16xf32>,
        %get3A_521 = arith.index_cast %add3A_507 : i32 to index
        %get3A_522 = arith.constant 16 : index
        %get3A_523 = tpu.vector_load %arg13[%get3A_521, %get3A_522] {strides = array<i32>} : memref<128x128xf32, #tpu.memory_space<vmem>>, vector<1x16xf32>,
        %get3A_524 = vector.shape_cast %get3A_523 : vector<1x16xf32> to vector<16xf32>
        %mul3A_525 = arith.mulf %get3A_524, %broadcast_in_dim3A_510 : vector<16xf32>
        %swap3A_526 = arith.index_cast %add3A_507 : i32 to index
        %swap3A_527 = arith.constant 16 : index
        %swap3A_528 = tpu.vector_load %arg13[%swap3A_526, %swap3A_527] {strides = array<i32>} : memref<128x128xf32, #tpu.memory_space<vmem>>, vector<1x16xf32>,
        %swap3A_529 = vector.shape_cast %swap3A_528 : vector<1x16xf32> to vector<16xf32>
        %swap3A_530 = vector.shape_cast %mul3A_525 : vector<16xf32> to vector<1x16xf32>
        tpu.vector_store %arg13[%swap3A_526, %swap3A_527], %swap3A_530 {strides = array<i32>} : memref<128x128xf32, #tpu.memory_space<vmem>>, vector<1x16xf32>,
        %get3A_531 = arith.index_cast %add3A_507 : i32 to index
        %get3A_532 = arith.constant 32 : index
        %get3A_533 = tpu.vector_load %arg13[%get3A_531, %get3A_532] {strides = array<i32>} : memref<128x128xf32, #tpu.memory_space<vmem>>, vector<1x16xf32>,
        %get3A_534 = vector.shape_cast %get3A_533 : vector<1x16xf32> to vector<16xf32>
        %mul3A_535 = arith.mulf %get3A_534, %broadcast_in_dim3A_510 : vector<16xf32>
        %swap3A_536 = arith.index_cast %add3A_507 : i32 to index
        %swap3A_537 = arith.constant 32 : index
        %swap3A_538 = tpu.vector_load %arg13[%swap3A_536, %swap3A_537] {strides = array<i32>} : memref<128x128xf32, #tpu.memory_space<vmem>>, vector<1x16xf32>,
        %swap3A_539 = vector.shape_cast %swap3A_538 : vector<1x16xf32> to vector<16xf32>
        %swap3A_540 = vector.shape_cast %mul3A_535 : vector<16xf32> to vector<1x16xf32>
        tpu.vector_store %arg13[%swap3A_536, %swap3A_537], %swap3A_540 {strides = array<i32>} : memref<128x128xf32, #tpu.memory_space<vmem>>, vector<1x16xf32>,
        %get3A_541 = arith.index_cast %add3A_507 : i32 to index
        %get3A_542 = arith.constant 48 : index
        %get3A_543 = tpu.vector_load %arg13[%get3A_541, %get3A_542] {strides = array<i32>} : memref<128x128xf32, #tpu.memory_space<vmem>>, vector<1x16xf32>,
        %get3A_544 = vector.shape_cast %get3A_543 : vector<1x16xf32> to vector<16xf32>
        %mul3A_545 = arith.mulf %get3A_544, %broadcast_in_dim3A_510 : vector<16xf32>
        %swap3A_546 = arith.index_cast %add3A_507 : i32 to index
        %swap3A_547 = arith.constant 48 : index
        %swap3A_548 = tpu.vector_load %arg13[%swap3A_546, %swap3A_547] {strides = array<i32>} : memref<128x128xf32, #tpu.memory_space<vmem>>, vector<1x16xf32>,
        %swap3A_549 = vector.shape_cast %swap3A_548 : vector<1x16xf32> to vector<16xf32>
        %swap3A_550 = vector.shape_cast %mul3A_545 : vector<16xf32> to vector<1x16xf32>
        tpu.vector_store %arg13[%swap3A_546, %swap3A_547], %swap3A_550 {strides = array<i32>} : memref<128x128xf32, #tpu.memory_space<vmem>>, vector<1x16xf32>,
        %get3A_551 = arith.index_cast %add3A_507 : i32 to index
        %get3A_552 = arith.constant 64 : index
        %get3A_553 = tpu.vector_load %arg13[%get3A_551, %get3A_552] {strides = array<i32>} : memref<128x128xf32, #tpu.memory_space<vmem>>, vector<1x16xf32>,
        %get3A_554 = vector.shape_cast %get3A_553 : vector<1x16xf32> to vector<16xf32>
        %mul3A_555 = arith.mulf %get3A_554, %broadcast_in_dim3A_510 : vector<16xf32>
        %swap3A_556 = arith.index_cast %add3A_507 : i32 to index
        %swap3A_557 = arith.constant 64 : index
        %swap3A_558 = tpu.vector_load %arg13[%swap3A_556, %swap3A_557] {strides = array<i32>} : memref<128x128xf32, #tpu.memory_space<vmem>>, vector<1x16xf32>,
        %swap3A_559 = vector.shape_cast %swap3A_558 : vector<1x16xf32> to vector<16xf32>
        %swap3A_560 = vector.shape_cast %mul3A_555 : vector<16xf32> to vector<1x16xf32>
        tpu.vector_store %arg13[%swap3A_556, %swap3A_557], %swap3A_560 {strides = array<i32>} : memref<128x128xf32, #tpu.memory_space<vmem>>, vector<1x16xf32>,
        %get3A_561 = arith.index_cast %add3A_507 : i32 to index
        %get3A_562 = arith.constant 80 : index
        %get3A_563 = tpu.vector_load %arg13[%get3A_561, %get3A_562] {strides = array<i32>} : memref<128x128xf32, #tpu.memory_space<vmem>>, vector<1x16xf32>,
        %get3A_564 = vector.shape_cast %get3A_563 : vector<1x16xf32> to vector<16xf32>
        %mul3A_565 = arith.mulf %get3A_564, %broadcast_in_dim3A_510 : vector<16xf32>
        %swap3A_566 = arith.index_cast %add3A_507 : i32 to index
        %swap3A_567 = arith.constant 80 : index
        %swap3A_568 = tpu.vector_load %arg13[%swap3A_566, %swap3A_567] {strides = array<i32>} : memref<128x128xf32, #tpu.memory_space<vmem>>, vector<1x16xf32>,
        %swap3A_569 = vector.shape_cast %swap3A_568 : vector<1x16xf32> to vector<16xf32>
        %swap3A_570 = vector.shape_cast %mul3A_565 : vector<16xf32> to vector<1x16xf32>
        tpu.vector_store %arg13[%swap3A_566, %swap3A_567], %swap3A_570 {strides = array<i32>} : memref<128x128xf32, #tpu.memory_space<vmem>>, vector<1x16xf32>,
        %get3A_571 = arith.index_cast %add3A_507 : i32 to index
        %get3A_572 = arith.constant 96 : index
        %get3A_573 = tpu.vector_load %arg13[%get3A_571, %get3A_572] {strides = array<i32>} : memref<128x128xf32, #tpu.memory_space<vmem>>, vector<1x16xf32>,
        %get3A_574 = vector.shape_cast %get3A_573 : vector<1x16xf32> to vector<16xf32>
        %mul3A_575 = arith.mulf %get3A_574, %broadcast_in_dim3A_510 : vector<16xf32>
        %swap3A_576 = arith.index_cast %add3A_507 : i32 to index
        %swap3A_577 = arith.constant 96 : index
        %swap3A_578 = tpu.vector_load %arg13[%swap3A_576, %swap3A_577] {strides = array<i32>} : memref<128x128xf32, #tpu.memory_space<vmem>>, vector<1x16xf32>,
        %swap3A_579 = vector.shape_cast %swap3A_578 : vector<1x16xf32> to vector<16xf32>
        %swap3A_580 = vector.shape_cast %mul3A_575 : vector<16xf32> to vector<1x16xf32>
        tpu.vector_store %arg13[%swap3A_576, %swap3A_577], %swap3A_580 {strides = array<i32>} : memref<128x128xf32, #tpu.memory_space<vmem>>, vector<1x16xf32>,
        %get3A_581 = arith.index_cast %add3A_507 : i32 to index
        %get3A_582 = arith.constant 112 : index
        %get3A_583 = tpu.vector_load %arg13[%get3A_581, %get3A_582] {strides = array<i32>} : memref<128x128xf32, #tpu.memory_space<vmem>>, vector<1x16xf32>,
        %get3A_584 = vector.shape_cast %get3A_583 : vector<1x16xf32> to vector<16xf32>
        %mul3A_585 = arith.mulf %get3A_584, %broadcast_in_dim3A_510 : vector<16xf32>
        %swap3A_586 = arith.index_cast %add3A_507 : i32 to index
        %swap3A_587 = arith.constant 112 : index
        %swap3A_588 = tpu.vector_load %arg13[%swap3A_586, %swap3A_587] {strides = array<i32>} : memref<128x128xf32, #tpu.memory_space<vmem>>, vector<1x16xf32>,
        %swap3A_589 = vector.shape_cast %swap3A_588 : vector<1x16xf32> to vector<16xf32>
        %swap3A_590 = vector.shape_cast %mul3A_585 : vector<16xf32> to vector<1x16xf32>
        tpu.vector_store %arg13[%swap3A_586, %swap3A_587], %swap3A_590 {strides = array<i32>} : memref<128x128xf32, #tpu.memory_space<vmem>>, vector<1x16xf32>,
        %mul3A_591 = arith.constant 16 : i32
        %mul3A_592 = arith.muli %scan3A_62, %mul3A_591 : i32
        %add3A_593 = arith.constant 6 : i32
        %add3A_594 = arith.addi %mul3A_592, %add3A_593 : i32
        %slice3A_595 = vector.extract_strided_slice %mul3A_72 {offsets = [6], sizes = [1], strides = [1]} : vector<16xf32> to vector<1xf32>
        %squeeze3A_596 = vector.extract %slice3A_595[0] : f32 from vector<1xf32>
        %broadcast_in_dim3A_597 = vector.broadcast %squeeze3A_596 : f32 to vector<16xf32>
        %get3A_598 = arith.index_cast %add3A_594 : i32 to index
        %get3A_599 = arith.constant 0 : index
        %get3A_600 = tpu.vector_load %arg13[%get3A_598, %get3A_599] {strides = array<i32>} : memref<128x128xf32, #tpu.memory_space<vmem>>, vector<1x16xf32>,
        %get3A_601 = vector.shape_cast %get3A_600 : vector<1x16xf32> to vector<16xf32>
        %mul3A_602 = arith.mulf %get3A_601, %broadcast_in_dim3A_597 : vector<16xf32>
        %swap3A_603 = arith.index_cast %add3A_594 : i32 to index
        %swap3A_604 = arith.constant 0 : index
        %swap3A_605 = tpu.vector_load %arg13[%swap3A_603, %swap3A_604] {strides = array<i32>} : memref<128x128xf32, #tpu.memory_space<vmem>>, vector<1x16xf32>,
        %swap3A_606 = vector.shape_cast %swap3A_605 : vector<1x16xf32> to vector<16xf32>
        %swap3A_607 = vector.shape_cast %mul3A_602 : vector<16xf32> to vector<1x16xf32>
        tpu.vector_store %arg13[%swap3A_603, %swap3A_604], %swap3A_607 {strides = array<i32>} : memref<128x128xf32, #tpu.memory_space<vmem>>, vector<1x16xf32>,
        %get3A_608 = arith.index_cast %add3A_594 : i32 to index
        %get3A_609 = arith.constant 16 : index
        %get3A_610 = tpu.vector_load %arg13[%get3A_608, %get3A_609] {strides = array<i32>} : memref<128x128xf32, #tpu.memory_space<vmem>>, vector<1x16xf32>,
        %get3A_611 = vector.shape_cast %get3A_610 : vector<1x16xf32> to vector<16xf32>
        %mul3A_612 = arith.mulf %get3A_611, %broadcast_in_dim3A_597 : vector<16xf32>
        %swap3A_613 = arith.index_cast %add3A_594 : i32 to index
        %swap3A_614 = arith.constant 16 : index
        %swap3A_615 = tpu.vector_load %arg13[%swap3A_613, %swap3A_614] {strides = array<i32>} : memref<128x128xf32, #tpu.memory_space<vmem>>, vector<1x16xf32>,
        %swap3A_616 = vector.shape_cast %swap3A_615 : vector<1x16xf32> to vector<16xf32>
        %swap3A_617 = vector.shape_cast %mul3A_612 : vector<16xf32> to vector<1x16xf32>
        tpu.vector_store %arg13[%swap3A_613, %swap3A_614], %swap3A_617 {strides = array<i32>} : memref<128x128xf32, #tpu.memory_space<vmem>>, vector<1x16xf32>,
        %get3A_618 = arith.index_cast %add3A_594 : i32 to index
        %get3A_619 = arith.constant 32 : index
        %get3A_620 = tpu.vector_load %arg13[%get3A_618, %get3A_619] {strides = array<i32>} : memref<128x128xf32, #tpu.memory_space<vmem>>, vector<1x16xf32>,
        %get3A_621 = vector.shape_cast %get3A_620 : vector<1x16xf32> to vector<16xf32>
        %mul3A_622 = arith.mulf %get3A_621, %broadcast_in_dim3A_597 : vector<16xf32>
        %swap3A_623 = arith.index_cast %add3A_594 : i32 to index
        %swap3A_624 = arith.constant 32 : index
        %swap3A_625 = tpu.vector_load %arg13[%swap3A_623, %swap3A_624] {strides = array<i32>} : memref<128x128xf32, #tpu.memory_space<vmem>>, vector<1x16xf32>,
        %swap3A_626 = vector.shape_cast %swap3A_625 : vector<1x16xf32> to vector<16xf32>
        %swap3A_627 = vector.shape_cast %mul3A_622 : vector<16xf32> to vector<1x16xf32>
        tpu.vector_store %arg13[%swap3A_623, %swap3A_624], %swap3A_627 {strides = array<i32>} : memref<128x128xf32, #tpu.memory_space<vmem>>, vector<1x16xf32>,
        %get3A_628 = arith.index_cast %add3A_594 : i32 to index
        %get3A_629 = arith.constant 48 : index
        %get3A_630 = tpu.vector_load %arg13[%get3A_628, %get3A_629] {strides = array<i32>} : memref<128x128xf32, #tpu.memory_space<vmem>>, vector<1x16xf32>,
        %get3A_631 = vector.shape_cast %get3A_630 : vector<1x16xf32> to vector<16xf32>
        %mul3A_632 = arith.mulf %get3A_631, %broadcast_in_dim3A_597 : vector<16xf32>
        %swap3A_633 = arith.index_cast %add3A_594 : i32 to index
        %swap3A_634 = arith.constant 48 : index
        %swap3A_635 = tpu.vector_load %arg13[%swap3A_633, %swap3A_634] {strides = array<i32>} : memref<128x128xf32, #tpu.memory_space<vmem>>, vector<1x16xf32>,
        %swap3A_636 = vector.shape_cast %swap3A_635 : vector<1x16xf32> to vector<16xf32>
        %swap3A_637 = vector.shape_cast %mul3A_632 : vector<16xf32> to vector<1x16xf32>
        tpu.vector_store %arg13[%swap3A_633, %swap3A_634], %swap3A_637 {strides = array<i32>} : memref<128x128xf32, #tpu.memory_space<vmem>>, vector<1x16xf32>,
        %get3A_638 = arith.index_cast %add3A_594 : i32 to index
        %get3A_639 = arith.constant 64 : index
        %get3A_640 = tpu.vector_load %arg13[%get3A_638, %get3A_639] {strides = array<i32>} : memref<128x128xf32, #tpu.memory_space<vmem>>, vector<1x16xf32>,
        %get3A_641 = vector.shape_cast %get3A_640 : vector<1x16xf32> to vector<16xf32>
        %mul3A_642 = arith.mulf %get3A_641, %broadcast_in_dim3A_597 : vector<16xf32>
        %swap3A_643 = arith.index_cast %add3A_594 : i32 to index
        %swap3A_644 = arith.constant 64 : index
        %swap3A_645 = tpu.vector_load %arg13[%swap3A_643, %swap3A_644] {strides = array<i32>} : memref<128x128xf32, #tpu.memory_space<vmem>>, vector<1x16xf32>,
        %swap3A_646 = vector.shape_cast %swap3A_645 : vector<1x16xf32> to vector<16xf32>
        %swap3A_647 = vector.shape_cast %mul3A_642 : vector<16xf32> to vector<1x16xf32>
        tpu.vector_store %arg13[%swap3A_643, %swap3A_644], %swap3A_647 {strides = array<i32>} : memref<128x128xf32, #tpu.memory_space<vmem>>, vector<1x16xf32>,
        %get3A_648 = arith.index_cast %add3A_594 : i32 to index
        %get3A_649 = arith.constant 80 : index
        %get3A_650 = tpu.vector_load %arg13[%get3A_648, %get3A_649] {strides = array<i32>} : memref<128x128xf32, #tpu.memory_space<vmem>>, vector<1x16xf32>,
        %get3A_651 = vector.shape_cast %get3A_650 : vector<1x16xf32> to vector<16xf32>
        %mul3A_652 = arith.mulf %get3A_651, %broadcast_in_dim3A_597 : vector<16xf32>
        %swap3A_653 = arith.index_cast %add3A_594 : i32 to index
        %swap3A_654 = arith.constant 80 : index
        %swap3A_655 = tpu.vector_load %arg13[%swap3A_653, %swap3A_654] {strides = array<i32>} : memref<128x128xf32, #tpu.memory_space<vmem>>, vector<1x16xf32>,
        %swap3A_656 = vector.shape_cast %swap3A_655 : vector<1x16xf32> to vector<16xf32>
        %swap3A_657 = vector.shape_cast %mul3A_652 : vector<16xf32> to vector<1x16xf32>
        tpu.vector_store %arg13[%swap3A_653, %swap3A_654], %swap3A_657 {strides = array<i32>} : memref<128x128xf32, #tpu.memory_space<vmem>>, vector<1x16xf32>,
        %get3A_658 = arith.index_cast %add3A_594 : i32 to index
        %get3A_659 = arith.constant 96 : index
        %get3A_660 = tpu.vector_load %arg13[%get3A_658, %get3A_659] {strides = array<i32>} : memref<128x128xf32, #tpu.memory_space<vmem>>, vector<1x16xf32>,
        %get3A_661 = vector.shape_cast %get3A_660 : vector<1x16xf32> to vector<16xf32>
        %mul3A_662 = arith.mulf %get3A_661, %broadcast_in_dim3A_597 : vector<16xf32>
        %swap3A_663 = arith.index_cast %add3A_594 : i32 to index
        %swap3A_664 = arith.constant 96 : index
        %swap3A_665 = tpu.vector_load %arg13[%swap3A_663, %swap3A_664] {strides = array<i32>} : memref<128x128xf32, #tpu.memory_space<vmem>>, vector<1x16xf32>,
        %swap3A_666 = vector.shape_cast %swap3A_665 : vector<1x16xf32> to vector<16xf32>
        %swap3A_667 = vector.shape_cast %mul3A_662 : vector<16xf32> to vector<1x16xf32>
        tpu.vector_store %arg13[%swap3A_663, %swap3A_664], %swap3A_667 {strides = array<i32>} : memref<128x128xf32, #tpu.memory_space<vmem>>, vector<1x16xf32>,
        %get3A_668 = arith.index_cast %add3A_594 : i32 to index
        %get3A_669 = arith.constant 112 : index
        %get3A_670 = tpu.vector_load %arg13[%get3A_668, %get3A_669] {strides = array<i32>} : memref<128x128xf32, #tpu.memory_space<vmem>>, vector<1x16xf32>,
        %get3A_671 = vector.shape_cast %get3A_670 : vector<1x16xf32> to vector<16xf32>
        %mul3A_672 = arith.mulf %get3A_671, %broadcast_in_dim3A_597 : vector<16xf32>
        %swap3A_673 = arith.index_cast %add3A_594 : i32 to index
        %swap3A_674 = arith.constant 112 : index
        %swap3A_675 = tpu.vector_load %arg13[%swap3A_673, %swap3A_674] {strides = array<i32>} : memref<128x128xf32, #tpu.memory_space<vmem>>, vector<1x16xf32>,
        %swap3A_676 = vector.shape_cast %swap3A_675 : vector<1x16xf32> to vector<16xf32>
        %swap3A_677 = vector.shape_cast %mul3A_672 : vector<16xf32> to vector<1x16xf32>
        tpu.vector_store %arg13[%swap3A_673, %swap3A_674], %swap3A_677 {strides = array<i32>} : memref<128x128xf32, #tpu.memory_space<vmem>>, vector<1x16xf32>,
        %mul3A_678 = arith.constant 16 : i32
        %mul3A_679 = arith.muli %scan3A_62, %mul3A_678 : i32
        %add3A_680 = arith.constant 7 : i32
        %add3A_681 = arith.addi %mul3A_679, %add3A_680 : i32
        %slice3A_682 = vector.extract_strided_slice %mul3A_72 {offsets = [7], sizes = [1], strides = [1]} : vector<16xf32> to vector<1xf32>
        %squeeze3A_683 = vector.extract %slice3A_682[0] : f32 from vector<1xf32>
        %broadcast_in_dim3A_684 = vector.broadcast %squeeze3A_683 : f32 to vector<16xf32>
        %get3A_685 = arith.index_cast %add3A_681 : i32 to index
        %get3A_686 = arith.constant 0 : index
        %get3A_687 = tpu.vector_load %arg13[%get3A_685, %get3A_686] {strides = array<i32>} : memref<128x128xf32, #tpu.memory_space<vmem>>, vector<1x16xf32>,
        %get3A_688 = vector.shape_cast %get3A_687 : vector<1x16xf32> to vector<16xf32>
        %mul3A_689 = arith.mulf %get3A_688, %broadcast_in_dim3A_684 : vector<16xf32>
        %swap3A_690 = arith.index_cast %add3A_681 : i32 to index
        %swap3A_691 = arith.constant 0 : index
        %swap3A_692 = tpu.vector_load %arg13[%swap3A_690, %swap3A_691] {strides = array<i32>} : memref<128x128xf32, #tpu.memory_space<vmem>>, vector<1x16xf32>,
        %swap3A_693 = vector.shape_cast %swap3A_692 : vector<1x16xf32> to vector<16xf32>
        %swap3A_694 = vector.shape_cast %mul3A_689 : vector<16xf32> to vector<1x16xf32>
        tpu.vector_store %arg13[%swap3A_690, %swap3A_691], %swap3A_694 {strides = array<i32>} : memref<128x128xf32, #tpu.memory_space<vmem>>, vector<1x16xf32>,
        %get3A_695 = arith.index_cast %add3A_681 : i32 to index
        %get3A_696 = arith.constant 16 : index
        %get3A_697 = tpu.vector_load %arg13[%get3A_695, %get3A_696] {strides = array<i32>} : memref<128x128xf32, #tpu.memory_space<vmem>>, vector<1x16xf32>,
        %get3A_698 = vector.shape_cast %get3A_697 : vector<1x16xf32> to vector<16xf32>
        %mul3A_699 = arith.mulf %get3A_698, %broadcast_in_dim3A_684 : vector<16xf32>
        %swap3A_700 = arith.index_cast %add3A_681 : i32 to index
        %swap3A_701 = arith.constant 16 : index
        %swap3A_702 = tpu.vector_load %arg13[%swap3A_700, %swap3A_701] {strides = array<i32>} : memref<128x128xf32, #tpu.memory_space<vmem>>, vector<1x16xf32>,
        %swap3A_703 = vector.shape_cast %swap3A_702 : vector<1x16xf32> to vector<16xf32>
        %swap3A_704 = vector.shape_cast %mul3A_699 : vector<16xf32> to vector<1x16xf32>
        tpu.vector_store %arg13[%swap3A_700, %swap3A_701], %swap3A_704 {strides = array<i32>} : memref<128x128xf32, #tpu.memory_space<vmem>>, vector<1x16xf32>,
        %get3A_705 = arith.index_cast %add3A_681 : i32 to index
        %get3A_706 = arith.constant 32 : index
        %get3A_707 = tpu.vector_load %arg13[%get3A_705, %get3A_706] {strides = array<i32>} : memref<128x128xf32, #tpu.memory_space<vmem>>, vector<1x16xf32>,
        %get3A_708 = vector.shape_cast %get3A_707 : vector<1x16xf32> to vector<16xf32>
        %mul3A_709 = arith.mulf %get3A_708, %broadcast_in_dim3A_684 : vector<16xf32>
        %swap3A_710 = arith.index_cast %add3A_681 : i32 to index
        %swap3A_711 = arith.constant 32 : index
        %swap3A_712 = tpu.vector_load %arg13[%swap3A_710, %swap3A_711] {strides = array<i32>} : memref<128x128xf32, #tpu.memory_space<vmem>>, vector<1x16xf32>,
        %swap3A_713 = vector.shape_cast %swap3A_712 : vector<1x16xf32> to vector<16xf32>
        %swap3A_714 = vector.shape_cast %mul3A_709 : vector<16xf32> to vector<1x16xf32>
        tpu.vector_store %arg13[%swap3A_710, %swap3A_711], %swap3A_714 {strides = array<i32>} : memref<128x128xf32, #tpu.memory_space<vmem>>, vector<1x16xf32>,
        %get3A_715 = arith.index_cast %add3A_681 : i32 to index
        %get3A_716 = arith.constant 48 : index
        %get3A_717 = tpu.vector_load %arg13[%get3A_715, %get3A_716] {strides = array<i32>} : memref<128x128xf32, #tpu.memory_space<vmem>>, vector<1x16xf32>,
        %get3A_718 = vector.shape_cast %get3A_717 : vector<1x16xf32> to vector<16xf32>
        %mul3A_719 = arith.mulf %get3A_718, %broadcast_in_dim3A_684 : vector<16xf32>
        %swap3A_720 = arith.index_cast %add3A_681 : i32 to index
        %swap3A_721 = arith.constant 48 : index
        %swap3A_722 = tpu.vector_load %arg13[%swap3A_720, %swap3A_721] {strides = array<i32>} : memref<128x128xf32, #tpu.memory_space<vmem>>, vector<1x16xf32>,
        %swap3A_723 = vector.shape_cast %swap3A_722 : vector<1x16xf32> to vector<16xf32>
        %swap3A_724 = vector.shape_cast %mul3A_719 : vector<16xf32> to vector<1x16xf32>
        tpu.vector_store %arg13[%swap3A_720, %swap3A_721], %swap3A_724 {strides = array<i32>} : memref<128x128xf32, #tpu.memory_space<vmem>>, vector<1x16xf32>,
        %get3A_725 = arith.index_cast %add3A_681 : i32 to index
        %get3A_726 = arith.constant 64 : index
        %get3A_727 = tpu.vector_load %arg13[%get3A_725, %get3A_726] {strides = array<i32>} : memref<128x128xf32, #tpu.memory_space<vmem>>, vector<1x16xf32>,
        %get3A_728 = vector.shape_cast %get3A_727 : vector<1x16xf32> to vector<16xf32>
        %mul3A_729 = arith.mulf %get3A_728, %broadcast_in_dim3A_684 : vector<16xf32>
        %swap3A_730 = arith.index_cast %add3A_681 : i32 to index
        %swap3A_731 = arith.constant 64 : index
        %swap3A_732 = tpu.vector_load %arg13[%swap3A_730, %swap3A_731] {strides = array<i32>} : memref<128x128xf32, #tpu.memory_space<vmem>>, vector<1x16xf32>,
        %swap3A_733 = vector.shape_cast %swap3A_732 : vector<1x16xf32> to vector<16xf32>
        %swap3A_734 = vector.shape_cast %mul3A_729 : vector<16xf32> to vector<1x16xf32>
        tpu.vector_store %arg13[%swap3A_730, %swap3A_731], %swap3A_734 {strides = array<i32>} : memref<128x128xf32, #tpu.memory_space<vmem>>, vector<1x16xf32>,
        %get3A_735 = arith.index_cast %add3A_681 : i32 to index
        %get3A_736 = arith.constant 80 : index
        %get3A_737 = tpu.vector_load %arg13[%get3A_735, %get3A_736] {strides = array<i32>} : memref<128x128xf32, #tpu.memory_space<vmem>>, vector<1x16xf32>,
        %get3A_738 = vector.shape_cast %get3A_737 : vector<1x16xf32> to vector<16xf32>
        %mul3A_739 = arith.mulf %get3A_738, %broadcast_in_dim3A_684 : vector<16xf32>
        %swap3A_740 = arith.index_cast %add3A_681 : i32 to index
        %swap3A_741 = arith.constant 80 : index
        %swap3A_742 = tpu.vector_load %arg13[%swap3A_740, %swap3A_741] {strides = array<i32>} : memref<128x128xf32, #tpu.memory_space<vmem>>, vector<1x16xf32>,
        %swap3A_743 = vector.shape_cast %swap3A_742 : vector<1x16xf32> to vector<16xf32>
        %swap3A_744 = vector.shape_cast %mul3A_739 : vector<16xf32> to vector<1x16xf32>
        tpu.vector_store %arg13[%swap3A_740, %swap3A_741], %swap3A_744 {strides = array<i32>} : memref<128x128xf32, #tpu.memory_space<vmem>>, vector<1x16xf32>,
        %get3A_745 = arith.index_cast %add3A_681 : i32 to index
        %get3A_746 = arith.constant 96 : index
        %get3A_747 = tpu.vector_load %arg13[%get3A_745, %get3A_746] {strides = array<i32>} : memref<128x128xf32, #tpu.memory_space<vmem>>, vector<1x16xf32>,
        %get3A_748 = vector.shape_cast %get3A_747 : vector<1x16xf32> to vector<16xf32>
        %mul3A_749 = arith.mulf %get3A_748, %broadcast_in_dim3A_684 : vector<16xf32>
        %swap3A_750 = arith.index_cast %add3A_681 : i32 to index
        %swap3A_751 = arith.constant 96 : index
        %swap3A_752 = tpu.vector_load %arg13[%swap3A_750, %swap3A_751] {strides = array<i32>} : memref<128x128xf32, #tpu.memory_space<vmem>>, vector<1x16xf32>,
        %swap3A_753 = vector.shape_cast %swap3A_752 : vector<1x16xf32> to vector<16xf32>
        %swap3A_754 = vector.shape_cast %mul3A_749 : vector<16xf32> to vector<1x16xf32>
        tpu.vector_store %arg13[%swap3A_750, %swap3A_751], %swap3A_754 {strides = array<i32>} : memref<128x128xf32, #tpu.memory_space<vmem>>, vector<1x16xf32>,
        %get3A_755 = arith.index_cast %add3A_681 : i32 to index
        %get3A_756 = arith.constant 112 : index
        %get3A_757 = tpu.vector_load %arg13[%get3A_755, %get3A_756] {strides = array<i32>} : memref<128x128xf32, #tpu.memory_space<vmem>>, vector<1x16xf32>,
        %get3A_758 = vector.shape_cast %get3A_757 : vector<1x16xf32> to vector<16xf32>
        %mul3A_759 = arith.mulf %get3A_758, %broadcast_in_dim3A_684 : vector<16xf32>
        %swap3A_760 = arith.index_cast %add3A_681 : i32 to index
        %swap3A_761 = arith.constant 112 : index
        %swap3A_762 = tpu.vector_load %arg13[%swap3A_760, %swap3A_761] {strides = array<i32>} : memref<128x128xf32, #tpu.memory_space<vmem>>, vector<1x16xf32>,
        %swap3A_763 = vector.shape_cast %swap3A_762 : vector<1x16xf32> to vector<16xf32>
        %swap3A_764 = vector.shape_cast %mul3A_759 : vector<16xf32> to vector<1x16xf32>
        tpu.vector_store %arg13[%swap3A_760, %swap3A_761], %swap3A_764 {strides = array<i32>} : memref<128x128xf32, #tpu.memory_space<vmem>>, vector<1x16xf32>,
        %mul3A_765 = arith.constant 16 : i32
        %mul3A_766 = arith.muli %scan3A_62, %mul3A_765 : i32
        %add3A_767 = arith.constant 8 : i32
        %add3A_768 = arith.addi %mul3A_766, %add3A_767 : i32
        %slice3A_769 = vector.extract_strided_slice %mul3A_72 {offsets = [8], sizes = [1], strides = [1]} : vector<16xf32> to vector<1xf32>
        %squeeze3A_770 = vector.extract %slice3A_769[0] : f32 from vector<1xf32>
        %broadcast_in_dim3A_771 = vector.broadcast %squeeze3A_770 : f32 to vector<16xf32>
        %get3A_772 = arith.index_cast %add3A_768 : i32 to index
        %get3A_773 = arith.constant 0 : index
        %get3A_774 = tpu.vector_load %arg13[%get3A_772, %get3A_773] {strides = array<i32>} : memref<128x128xf32, #tpu.memory_space<vmem>>, vector<1x16xf32>,
        %get3A_775 = vector.shape_cast %get3A_774 : vector<1x16xf32> to vector<16xf32>
        %mul3A_776 = arith.mulf %get3A_775, %broadcast_in_dim3A_771 : vector<16xf32>
        %swap3A_777 = arith.index_cast %add3A_768 : i32 to index
        %swap3A_778 = arith.constant 0 : index
        %swap3A_779 = tpu.vector_load %arg13[%swap3A_777, %swap3A_778] {strides = array<i32>} : memref<128x128xf32, #tpu.memory_space<vmem>>, vector<1x16xf32>,
        %swap3A_780 = vector.shape_cast %swap3A_779 : vector<1x16xf32> to vector<16xf32>
        %swap3A_781 = vector.shape_cast %mul3A_776 : vector<16xf32> to vector<1x16xf32>
        tpu.vector_store %arg13[%swap3A_777, %swap3A_778], %swap3A_781 {strides = array<i32>} : memref<128x128xf32, #tpu.memory_space<vmem>>, vector<1x16xf32>,
        %get3A_782 = arith.index_cast %add3A_768 : i32 to index
        %get3A_783 = arith.constant 16 : index
        %get3A_784 = tpu.vector_load %arg13[%get3A_782, %get3A_783] {strides = array<i32>} : memref<128x128xf32, #tpu.memory_space<vmem>>, vector<1x16xf32>,
        %get3A_785 = vector.shape_cast %get3A_784 : vector<1x16xf32> to vector<16xf32>
        %mul3A_786 = arith.mulf %get3A_785, %broadcast_in_dim3A_771 : vector<16xf32>
        %swap3A_787 = arith.index_cast %add3A_768 : i32 to index
        %swap3A_788 = arith.constant 16 : index
        %swap3A_789 = tpu.vector_load %arg13[%swap3A_787, %swap3A_788] {strides = array<i32>} : memref<128x128xf32, #tpu.memory_space<vmem>>, vector<1x16xf32>,
        %swap3A_790 = vector.shape_cast %swap3A_789 : vector<1x16xf32> to vector<16xf32>
        %swap3A_791 = vector.shape_cast %mul3A_786 : vector<16xf32> to vector<1x16xf32>
        tpu.vector_store %arg13[%swap3A_787, %swap3A_788], %swap3A_791 {strides = array<i32>} : memref<128x128xf32, #tpu.memory_space<vmem>>, vector<1x16xf32>,
        %get3A_792 = arith.index_cast %add3A_768 : i32 to index
        %get3A_793 = arith.constant 32 : index
        %get3A_794 = tpu.vector_load %arg13[%get3A_792, %get3A_793] {strides = array<i32>} : memref<128x128xf32, #tpu.memory_space<vmem>>, vector<1x16xf32>,
        %get3A_795 = vector.shape_cast %get3A_794 : vector<1x16xf32> to vector<16xf32>
        %mul3A_796 = arith.mulf %get3A_795, %broadcast_in_dim3A_771 : vector<16xf32>
        %swap3A_797 = arith.index_cast %add3A_768 : i32 to index
        %swap3A_798 = arith.constant 32 : index
        %swap3A_799 = tpu.vector_load %arg13[%swap3A_797, %swap3A_798] {strides = array<i32>} : memref<128x128xf32, #tpu.memory_space<vmem>>, vector<1x16xf32>,
        %swap3A_800 = vector.shape_cast %swap3A_799 : vector<1x16xf32> to vector<16xf32>
        %swap3A_801 = vector.shape_cast %mul3A_796 : vector<16xf32> to vector<1x16xf32>
        tpu.vector_store %arg13[%swap3A_797, %swap3A_798], %swap3A_801 {strides = array<i32>} : memref<128x128xf32, #tpu.memory_space<vmem>>, vector<1x16xf32>,
        %get3A_802 = arith.index_cast %add3A_768 : i32 to index
        %get3A_803 = arith.constant 48 : index
        %get3A_804 = tpu.vector_load %arg13[%get3A_802, %get3A_803] {strides = array<i32>} : memref<128x128xf32, #tpu.memory_space<vmem>>, vector<1x16xf32>,
        %get3A_805 = vector.shape_cast %get3A_804 : vector<1x16xf32> to vector<16xf32>
        %mul3A_806 = arith.mulf %get3A_805, %broadcast_in_dim3A_771 : vector<16xf32>
        %swap3A_807 = arith.index_cast %add3A_768 : i32 to index
        %swap3A_808 = arith.constant 48 : index
        %swap3A_809 = tpu.vector_load %arg13[%swap3A_807, %swap3A_808] {strides = array<i32>} : memref<128x128xf32, #tpu.memory_space<vmem>>, vector<1x16xf32>,
        %swap3A_810 = vector.shape_cast %swap3A_809 : vector<1x16xf32> to vector<16xf32>
        %swap3A_811 = vector.shape_cast %mul3A_806 : vector<16xf32> to vector<1x16xf32>
        tpu.vector_store %arg13[%swap3A_807, %swap3A_808], %swap3A_811 {strides = array<i32>} : memref<128x128xf32, #tpu.memory_space<vmem>>, vector<1x16xf32>,
        %get3A_812 = arith.index_cast %add3A_768 : i32 to index
        %get3A_813 = arith.constant 64 : index
        %get3A_814 = tpu.vector_load %arg13[%get3A_812, %get3A_813] {strides = array<i32>} : memref<128x128xf32, #tpu.memory_space<vmem>>, vector<1x16xf32>,
        %get3A_815 = vector.shape_cast %get3A_814 : vector<1x16xf32> to vector<16xf32>
        %mul3A_816 = arith.mulf %get3A_815, %broadcast_in_dim3A_771 : vector<16xf32>
        %swap3A_817 = arith.index_cast %add3A_768 : i32 to index
        %swap3A_818 = arith.constant 64 : index
        %swap3A_819 = tpu.vector_load %arg13[%swap3A_817, %swap3A_818] {strides = array<i32>} : memref<128x128xf32, #tpu.memory_space<vmem>>, vector<1x16xf32>,
        %swap3A_820 = vector.shape_cast %swap3A_819 : vector<1x16xf32> to vector<16xf32>
        %swap3A_821 = vector.shape_cast %mul3A_816 : vector<16xf32> to vector<1x16xf32>
        tpu.vector_store %arg13[%swap3A_817, %swap3A_818], %swap3A_821 {strides = array<i32>} : memref<128x128xf32, #tpu.memory_space<vmem>>, vector<1x16xf32>,
        %get3A_822 = arith.index_cast %add3A_768 : i32 to index
        %get3A_823 = arith.constant 80 : index
        %get3A_824 = tpu.vector_load %arg13[%get3A_822, %get3A_823] {strides = array<i32>} : memref<128x128xf32, #tpu.memory_space<vmem>>, vector<1x16xf32>,
        %get3A_825 = vector.shape_cast %get3A_824 : vector<1x16xf32> to vector<16xf32>
        %mul3A_826 = arith.mulf %get3A_825, %broadcast_in_dim3A_771 : vector<16xf32>
        %swap3A_827 = arith.index_cast %add3A_768 : i32 to index
        %swap3A_828 = arith.constant 80 : index
        %swap3A_829 = tpu.vector_load %arg13[%swap3A_827, %swap3A_828] {strides = array<i32>} : memref<128x128xf32, #tpu.memory_space<vmem>>, vector<1x16xf32>,
        %swap3A_830 = vector.shape_cast %swap3A_829 : vector<1x16xf32> to vector<16xf32>
        %swap3A_831 = vector.shape_cast %mul3A_826 : vector<16xf32> to vector<1x16xf32>
        tpu.vector_store %arg13[%swap3A_827, %swap3A_828], %swap3A_831 {strides = array<i32>} : memref<128x128xf32, #tpu.memory_space<vmem>>, vector<1x16xf32>,
        %get3A_832 = arith.index_cast %add3A_768 : i32 to index
        %get3A_833 = arith.constant 96 : index
        %get3A_834 = tpu.vector_load %arg13[%get3A_832, %get3A_833] {strides = array<i32>} : memref<128x128xf32, #tpu.memory_space<vmem>>, vector<1x16xf32>,
        %get3A_835 = vector.shape_cast %get3A_834 : vector<1x16xf32> to vector<16xf32>
        %mul3A_836 = arith.mulf %get3A_835, %broadcast_in_dim3A_771 : vector<16xf32>
        %swap3A_837 = arith.index_cast %add3A_768 : i32 to index
        %swap3A_838 = arith.constant 96 : index
        %swap3A_839 = tpu.vector_load %arg13[%swap3A_837, %swap3A_838] {strides = array<i32>} : memref<128x128xf32, #tpu.memory_space<vmem>>, vector<1x16xf32>,
        %swap3A_840 = vector.shape_cast %swap3A_839 : vector<1x16xf32> to vector<16xf32>
        %swap3A_841 = vector.shape_cast %mul3A_836 : vector<16xf32> to vector<1x16xf32>
        tpu.vector_store %arg13[%swap3A_837, %swap3A_838], %swap3A_841 {strides = array<i32>} : memref<128x128xf32, #tpu.memory_space<vmem>>, vector<1x16xf32>,
        %get3A_842 = arith.index_cast %add3A_768 : i32 to index
        %get3A_843 = arith.constant 112 : index
        %get3A_844 = tpu.vector_load %arg13[%get3A_842, %get3A_843] {strides = array<i32>} : memref<128x128xf32, #tpu.memory_space<vmem>>, vector<1x16xf32>,
        %get3A_845 = vector.shape_cast %get3A_844 : vector<1x16xf32> to vector<16xf32>
        %mul3A_846 = arith.mulf %get3A_845, %broadcast_in_dim3A_771 : vector<16xf32>
        %swap3A_847 = arith.index_cast %add3A_768 : i32 to index
        %swap3A_848 = arith.constant 112 : index
        %swap3A_849 = tpu.vector_load %arg13[%swap3A_847, %swap3A_848] {strides = array<i32>} : memref<128x128xf32, #tpu.memory_space<vmem>>, vector<1x16xf32>,
        %swap3A_850 = vector.shape_cast %swap3A_849 : vector<1x16xf32> to vector<16xf32>
        %swap3A_851 = vector.shape_cast %mul3A_846 : vector<16xf32> to vector<1x16xf32>
        tpu.vector_store %arg13[%swap3A_847, %swap3A_848], %swap3A_851 {strides = array<i32>} : memref<128x128xf32, #tpu.memory_space<vmem>>, vector<1x16xf32>,
        %mul3A_852 = arith.constant 16 : i32
        %mul3A_853 = arith.muli %scan3A_62, %mul3A_852 : i32
        %add3A_854 = arith.constant 9 : i32
        %add3A_855 = arith.addi %mul3A_853, %add3A_854 : i32
        %slice3A_856 = vector.extract_strided_slice %mul3A_72 {offsets = [9], sizes = [1], strides = [1]} : vector<16xf32> to vector<1xf32>
        %squeeze3A_857 = vector.extract %slice3A_856[0] : f32 from vector<1xf32>
        %broadcast_in_dim3A_858 = vector.broadcast %squeeze3A_857 : f32 to vector<16xf32>
        %get3A_859 = arith.index_cast %add3A_855 : i32 to index
        %get3A_860 = arith.constant 0 : index
        %get3A_861 = tpu.vector_load %arg13[%get3A_859, %get3A_860] {strides = array<i32>} : memref<128x128xf32, #tpu.memory_space<vmem>>, vector<1x16xf32>,
        %get3A_862 = vector.shape_cast %get3A_861 : vector<1x16xf32> to vector<16xf32>
        %mul3A_863 = arith.mulf %get3A_862, %broadcast_in_dim3A_858 : vector<16xf32>
        %swap3A_864 = arith.index_cast %add3A_855 : i32 to index
        %swap3A_865 = arith.constant 0 : index
        %swap3A_866 = tpu.vector_load %arg13[%swap3A_864, %swap3A_865] {strides = array<i32>} : memref<128x128xf32, #tpu.memory_space<vmem>>, vector<1x16xf32>,
        %swap3A_867 = vector.shape_cast %swap3A_866 : vector<1x16xf32> to vector<16xf32>
        %swap3A_868 = vector.shape_cast %mul3A_863 : vector<16xf32> to vector<1x16xf32>
        tpu.vector_store %arg13[%swap3A_864, %swap3A_865], %swap3A_868 {strides = array<i32>} : memref<128x128xf32, #tpu.memory_space<vmem>>, vector<1x16xf32>,
        %get3A_869 = arith.index_cast %add3A_855 : i32 to index
        %get3A_870 = arith.constant 16 : index
        %get3A_871 = tpu.vector_load %arg13[%get3A_869, %get3A_870] {strides = array<i32>} : memref<128x128xf32, #tpu.memory_space<vmem>>, vector<1x16xf32>,
        %get3A_872 = vector.shape_cast %get3A_871 : vector<1x16xf32> to vector<16xf32>
        %mul3A_873 = arith.mulf %get3A_872, %broadcast_in_dim3A_858 : vector<16xf32>
        %swap3A_874 = arith.index_cast %add3A_855 : i32 to index
        %swap3A_875 = arith.constant 16 : index
        %swap3A_876 = tpu.vector_load %arg13[%swap3A_874, %swap3A_875] {strides = array<i32>} : memref<128x128xf32, #tpu.memory_space<vmem>>, vector<1x16xf32>,
        %swap3A_877 = vector.shape_cast %swap3A_876 : vector<1x16xf32> to vector<16xf32>
        %swap3A_878 = vector.shape_cast %mul3A_873 : vector<16xf32> to vector<1x16xf32>
        tpu.vector_store %arg13[%swap3A_874, %swap3A_875], %swap3A_878 {strides = array<i32>} : memref<128x128xf32, #tpu.memory_space<vmem>>, vector<1x16xf32>,
        %get3A_879 = arith.index_cast %add3A_855 : i32 to index
        %get3A_880 = arith.constant 32 : index
        %get3A_881 = tpu.vector_load %arg13[%get3A_879, %get3A_880] {strides = array<i32>} : memref<128x128xf32, #tpu.memory_space<vmem>>, vector<1x16xf32>,
        %get3A_882 = vector.shape_cast %get3A_881 : vector<1x16xf32> to vector<16xf32>
        %mul3A_883 = arith.mulf %get3A_882, %broadcast_in_dim3A_858 : vector<16xf32>
        %swap3A_884 = arith.index_cast %add3A_855 : i32 to index
        %swap3A_885 = arith.constant 32 : index
        %swap3A_886 = tpu.vector_load %arg13[%swap3A_884, %swap3A_885] {strides = array<i32>} : memref<128x128xf32, #tpu.memory_space<vmem>>, vector<1x16xf32>,
        %swap3A_887 = vector.shape_cast %swap3A_886 : vector<1x16xf32> to vector<16xf32>
        %swap3A_888 = vector.shape_cast %mul3A_883 : vector<16xf32> to vector<1x16xf32>
        tpu.vector_store %arg13[%swap3A_884, %swap3A_885], %swap3A_888 {strides = array<i32>} : memref<128x128xf32, #tpu.memory_space<vmem>>, vector<1x16xf32>,
        %get3A_889 = arith.index_cast %add3A_855 : i32 to index
        %get3A_890 = arith.constant 48 : index
        %get3A_891 = tpu.vector_load %arg13[%get3A_889, %get3A_890] {strides = array<i32>} : memref<128x128xf32, #tpu.memory_space<vmem>>, vector<1x16xf32>,
        %get3A_892 = vector.shape_cast %get3A_891 : vector<1x16xf32> to vector<16xf32>
        %mul3A_893 = arith.mulf %get3A_892, %broadcast_in_dim3A_858 : vector<16xf32>
        %swap3A_894 = arith.index_cast %add3A_855 : i32 to index
        %swap3A_895 = arith.constant 48 : index
        %swap3A_896 = tpu.vector_load %arg13[%swap3A_894, %swap3A_895] {strides = array<i32>} : memref<128x128xf32, #tpu.memory_space<vmem>>, vector<1x16xf32>,
        %swap3A_897 = vector.shape_cast %swap3A_896 : vector<1x16xf32> to vector<16xf32>
        %swap3A_898 = vector.shape_cast %mul3A_893 : vector<16xf32> to vector<1x16xf32>
        tpu.vector_store %arg13[%swap3A_894, %swap3A_895], %swap3A_898 {strides = array<i32>} : memref<128x128xf32, #tpu.memory_space<vmem>>, vector<1x16xf32>,
        %get3A_899 = arith.index_cast %add3A_855 : i32 to index
        %get3A_900 = arith.constant 64 : index
        %get3A_901 = tpu.vector_load %arg13[%get3A_899, %get3A_900] {strides = array<i32>} : memref<128x128xf32, #tpu.memory_space<vmem>>, vector<1x16xf32>,
        %get3A_902 = vector.shape_cast %get3A_901 : vector<1x16xf32> to vector<16xf32>
        %mul3A_903 = arith.mulf %get3A_902, %broadcast_in_dim3A_858 : vector<16xf32>
        %swap3A_904 = arith.index_cast %add3A_855 : i32 to index
        %swap3A_905 = arith.constant 64 : index
        %swap3A_906 = tpu.vector_load %arg13[%swap3A_904, %swap3A_905] {strides = array<i32>} : memref<128x128xf32, #tpu.memory_space<vmem>>, vector<1x16xf32>,
        %swap3A_907 = vector.shape_cast %swap3A_906 : vector<1x16xf32> to vector<16xf32>
        %swap3A_908 = vector.shape_cast %mul3A_903 : vector<16xf32> to vector<1x16xf32>
        tpu.vector_store %arg13[%swap3A_904, %swap3A_905], %swap3A_908 {strides = array<i32>} : memref<128x128xf32, #tpu.memory_space<vmem>>, vector<1x16xf32>,
        %get3A_909 = arith.index_cast %add3A_855 : i32 to index
        %get3A_910 = arith.constant 80 : index
        %get3A_911 = tpu.vector_load %arg13[%get3A_909, %get3A_910] {strides = array<i32>} : memref<128x128xf32, #tpu.memory_space<vmem>>, vector<1x16xf32>,
        %get3A_912 = vector.shape_cast %get3A_911 : vector<1x16xf32> to vector<16xf32>
        %mul3A_913 = arith.mulf %get3A_912, %broadcast_in_dim3A_858 : vector<16xf32>
        %swap3A_914 = arith.index_cast %add3A_855 : i32 to index
        %swap3A_915 = arith.constant 80 : index
        %swap3A_916 = tpu.vector_load %arg13[%swap3A_914, %swap3A_915] {strides = array<i32>} : memref<128x128xf32, #tpu.memory_space<vmem>>, vector<1x16xf32>,
        %swap3A_917 = vector.shape_cast %swap3A_916 : vector<1x16xf32> to vector<16xf32>
        %swap3A_918 = vector.shape_cast %mul3A_913 : vector<16xf32> to vector<1x16xf32>
        tpu.vector_store %arg13[%swap3A_914, %swap3A_915], %swap3A_918 {strides = array<i32>} : memref<128x128xf32, #tpu.memory_space<vmem>>, vector<1x16xf32>,
        %get3A_919 = arith.index_cast %add3A_855 : i32 to index
        %get3A_920 = arith.constant 96 : index
        %get3A_921 = tpu.vector_load %arg13[%get3A_919, %get3A_920] {strides = array<i32>} : memref<128x128xf32, #tpu.memory_space<vmem>>, vector<1x16xf32>,
        %get3A_922 = vector.shape_cast %get3A_921 : vector<1x16xf32> to vector<16xf32>
        %mul3A_923 = arith.mulf %get3A_922, %broadcast_in_dim3A_858 : vector<16xf32>
        %swap3A_924 = arith.index_cast %add3A_855 : i32 to index
        %swap3A_925 = arith.constant 96 : index
        %swap3A_926 = tpu.vector_load %arg13[%swap3A_924, %swap3A_925] {strides = array<i32>} : memref<128x128xf32, #tpu.memory_space<vmem>>, vector<1x16xf32>,
        %swap3A_927 = vector.shape_cast %swap3A_926 : vector<1x16xf32> to vector<16xf32>
        %swap3A_928 = vector.shape_cast %mul3A_923 : vector<16xf32> to vector<1x16xf32>
        tpu.vector_store %arg13[%swap3A_924, %swap3A_925], %swap3A_928 {strides = array<i32>} : memref<128x128xf32, #tpu.memory_space<vmem>>, vector<1x16xf32>,
        %get3A_929 = arith.index_cast %add3A_855 : i32 to index
        %get3A_930 = arith.constant 112 : index
        %get3A_931 = tpu.vector_load %arg13[%get3A_929, %get3A_930] {strides = array<i32>} : memref<128x128xf32, #tpu.memory_space<vmem>>, vector<1x16xf32>,
        %get3A_932 = vector.shape_cast %get3A_931 : vector<1x16xf32> to vector<16xf32>
        %mul3A_933 = arith.mulf %get3A_932, %broadcast_in_dim3A_858 : vector<16xf32>
        %swap3A_934 = arith.index_cast %add3A_855 : i32 to index
        %swap3A_935 = arith.constant 112 : index
        %swap3A_936 = tpu.vector_load %arg13[%swap3A_934, %swap3A_935] {strides = array<i32>} : memref<128x128xf32, #tpu.memory_space<vmem>>, vector<1x16xf32>,
        %swap3A_937 = vector.shape_cast %swap3A_936 : vector<1x16xf32> to vector<16xf32>
        %swap3A_938 = vector.shape_cast %mul3A_933 : vector<16xf32> to vector<1x16xf32>
        tpu.vector_store %arg13[%swap3A_934, %swap3A_935], %swap3A_938 {strides = array<i32>} : memref<128x128xf32, #tpu.memory_space<vmem>>, vector<1x16xf32>,
        %mul3A_939 = arith.constant 16 : i32
        %mul3A_940 = arith.muli %scan3A_62, %mul3A_939 : i32
        %add3A_941 = arith.constant 10 : i32
        %add3A_942 = arith.addi %mul3A_940, %add3A_941 : i32
        %slice3A_943 = vector.extract_strided_slice %mul3A_72 {offsets = [10], sizes = [1], strides = [1]} : vector<16xf32> to vector<1xf32>
        %squeeze3A_944 = vector.extract %slice3A_943[0] : f32 from vector<1xf32>
        %broadcast_in_dim3A_945 = vector.broadcast %squeeze3A_944 : f32 to vector<16xf32>
        %get3A_946 = arith.index_cast %add3A_942 : i32 to index
        %get3A_947 = arith.constant 0 : index
        %get3A_948 = tpu.vector_load %arg13[%get3A_946, %get3A_947] {strides = array<i32>} : memref<128x128xf32, #tpu.memory_space<vmem>>, vector<1x16xf32>,
        %get3A_949 = vector.shape_cast %get3A_948 : vector<1x16xf32> to vector<16xf32>
        %mul3A_950 = arith.mulf %get3A_949, %broadcast_in_dim3A_945 : vector<16xf32>
        %swap3A_951 = arith.index_cast %add3A_942 : i32 to index
        %swap3A_952 = arith.constant 0 : index
        %swap3A_953 = tpu.vector_load %arg13[%swap3A_951, %swap3A_952] {strides = array<i32>} : memref<128x128xf32, #tpu.memory_space<vmem>>, vector<1x16xf32>,
        %swap3A_954 = vector.shape_cast %swap3A_953 : vector<1x16xf32> to vector<16xf32>
        %swap3A_955 = vector.shape_cast %mul3A_950 : vector<16xf32> to vector<1x16xf32>
        tpu.vector_store %arg13[%swap3A_951, %swap3A_952], %swap3A_955 {strides = array<i32>} : memref<128x128xf32, #tpu.memory_space<vmem>>, vector<1x16xf32>,
        %get3A_956 = arith.index_cast %add3A_942 : i32 to index
        %get3A_957 = arith.constant 16 : index
        %get3A_958 = tpu.vector_load %arg13[%get3A_956, %get3A_957] {strides = array<i32>} : memref<128x128xf32, #tpu.memory_space<vmem>>, vector<1x16xf32>,
        %get3A_959 = vector.shape_cast %get3A_958 : vector<1x16xf32> to vector<16xf32>
        %mul3A_960 = arith.mulf %get3A_959, %broadcast_in_dim3A_945 : vector<16xf32>
        %swap3A_961 = arith.index_cast %add3A_942 : i32 to index
        %swap3A_962 = arith.constant 16 : index
        %swap3A_963 = tpu.vector_load %arg13[%swap3A_961, %swap3A_962] {strides = array<i32>} : memref<128x128xf32, #tpu.memory_space<vmem>>, vector<1x16xf32>,
        %swap3A_964 = vector.shape_cast %swap3A_963 : vector<1x16xf32> to vector<16xf32>
        %swap3A_965 = vector.shape_cast %mul3A_960 : vector<16xf32> to vector<1x16xf32>
        tpu.vector_store %arg13[%swap3A_961, %swap3A_962], %swap3A_965 {strides = array<i32>} : memref<128x128xf32, #tpu.memory_space<vmem>>, vector<1x16xf32>,
        %get3A_966 = arith.index_cast %add3A_942 : i32 to index
        %get3A_967 = arith.constant 32 : index
        %get3A_968 = tpu.vector_load %arg13[%get3A_966, %get3A_967] {strides = array<i32>} : memref<128x128xf32, #tpu.memory_space<vmem>>, vector<1x16xf32>,
        %get3A_969 = vector.shape_cast %get3A_968 : vector<1x16xf32> to vector<16xf32>
        %mul3A_970 = arith.mulf %get3A_969, %broadcast_in_dim3A_945 : vector<16xf32>
        %swap3A_971 = arith.index_cast %add3A_942 : i32 to index
        %swap3A_972 = arith.constant 32 : index
        %swap3A_973 = tpu.vector_load %arg13[%swap3A_971, %swap3A_972] {strides = array<i32>} : memref<128x128xf32, #tpu.memory_space<vmem>>, vector<1x16xf32>,
        %swap3A_974 = vector.shape_cast %swap3A_973 : vector<1x16xf32> to vector<16xf32>
        %swap3A_975 = vector.shape_cast %mul3A_970 : vector<16xf32> to vector<1x16xf32>
        tpu.vector_store %arg13[%swap3A_971, %swap3A_972], %swap3A_975 {strides = array<i32>} : memref<128x128xf32, #tpu.memory_space<vmem>>, vector<1x16xf32>,
        %get3A_976 = arith.index_cast %add3A_942 : i32 to index
        %get3A_977 = arith.constant 48 : index
        %get3A_978 = tpu.vector_load %arg13[%get3A_976, %get3A_977] {strides = array<i32>} : memref<128x128xf32, #tpu.memory_space<vmem>>, vector<1x16xf32>,
        %get3A_979 = vector.shape_cast %get3A_978 : vector<1x16xf32> to vector<16xf32>
        %mul3A_980 = arith.mulf %get3A_979, %broadcast_in_dim3A_945 : vector<16xf32>
        %swap3A_981 = arith.index_cast %add3A_942 : i32 to index
        %swap3A_982 = arith.constant 48 : index
        %swap3A_983 = tpu.vector_load %arg13[%swap3A_981, %swap3A_982] {strides = array<i32>} : memref<128x128xf32, #tpu.memory_space<vmem>>, vector<1x16xf32>,
        %swap3A_984 = vector.shape_cast %swap3A_983 : vector<1x16xf32> to vector<16xf32>
        %swap3A_985 = vector.shape_cast %mul3A_980 : vector<16xf32> to vector<1x16xf32>
        tpu.vector_store %arg13[%swap3A_981, %swap3A_982], %swap3A_985 {strides = array<i32>} : memref<128x128xf32, #tpu.memory_space<vmem>>, vector<1x16xf32>,
        %get3A_986 = arith.index_cast %add3A_942 : i32 to index
        %get3A_987 = arith.constant 64 : index
        %get3A_988 = tpu.vector_load %arg13[%get3A_986, %get3A_987] {strides = array<i32>} : memref<128x128xf32, #tpu.memory_space<vmem>>, vector<1x16xf32>,
        %get3A_989 = vector.shape_cast %get3A_988 : vector<1x16xf32> to vector<16xf32>
        %mul3A_990 = arith.mulf %get3A_989, %broadcast_in_dim3A_945 : vector<16xf32>
        %swap3A_991 = arith.index_cast %add3A_942 : i32 to index
        %swap3A_992 = arith.constant 64 : index
        %swap3A_993 = tpu.vector_load %arg13[%swap3A_991, %swap3A_992] {strides = array<i32>} : memref<128x128xf32, #tpu.memory_space<vmem>>, vector<1x16xf32>,
        %swap3A_994 = vector.shape_cast %swap3A_993 : vector<1x16xf32> to vector<16xf32>
        %swap3A_995 = vector.shape_cast %mul3A_990 : vector<16xf32> to vector<1x16xf32>
        tpu.vector_store %arg13[%swap3A_991, %swap3A_992], %swap3A_995 {strides = array<i32>} : memref<128x128xf32, #tpu.memory_space<vmem>>, vector<1x16xf32>,
        %get3A_996 = arith.index_cast %add3A_942 : i32 to index
        %get3A_997 = arith.constant 80 : index
        %get3A_998 = tpu.vector_load %arg13[%get3A_996, %get3A_997] {strides = array<i32>} : memref<128x128xf32, #tpu.memory_space<vmem>>, vector<1x16xf32>,
        %get3A_999 = vector.shape_cast %get3A_998 : vector<1x16xf32> to vector<16xf32>
        %mul3A_1000 = arith.mulf %get3A_999, %broadcast_in_dim3A_945 : vector<16xf32>
        %swap3A_1001 = arith.index_cast %add3A_942 : i32 to index
        %swap3A_1002 = arith.constant 80 : index
        %swap3A_1003 = tpu.vector_load %arg13[%swap3A_1001, %swap3A_1002] {strides = array<i32>} : memref<128x128xf32, #tpu.memory_space<vmem>>, vector<1x16xf32>,
        %swap3A_1004 = vector.shape_cast %swap3A_1003 : vector<1x16xf32> to vector<16xf32>
        %swap3A_1005 = vector.shape_cast %mul3A_1000 : vector<16xf32> to vector<1x16xf32>
        tpu.vector_store %arg13[%swap3A_1001, %swap3A_1002], %swap3A_1005 {strides = array<i32>} : memref<128x128xf32, #tpu.memory_space<vmem>>, vector<1x16xf32>,
        %get3A_1006 = arith.index_cast %add3A_942 : i32 to index
        %get3A_1007 = arith.constant 96 : index
        %get3A_1008 = tpu.vector_load %arg13[%get3A_1006, %get3A_1007] {strides = array<i32>} : memref<128x128xf32, #tpu.memory_space<vmem>>, vector<1x16xf32>,
        %get3A_1009 = vector.shape_cast %get3A_1008 : vector<1x16xf32> to vector<16xf32>
        %mul3A_1010 = arith.mulf %get3A_1009, %broadcast_in_dim3A_945 : vector<16xf32>
        %swap3A_1011 = arith.index_cast %add3A_942 : i32 to index
        %swap3A_1012 = arith.constant 96 : index
        %swap3A_1013 = tpu.vector_load %arg13[%swap3A_1011, %swap3A_1012] {strides = array<i32>} : memref<128x128xf32, #tpu.memory_space<vmem>>, vector<1x16xf32>,
        %swap3A_1014 = vector.shape_cast %swap3A_1013 : vector<1x16xf32> to vector<16xf32>
        %swap3A_1015 = vector.shape_cast %mul3A_1010 : vector<16xf32> to vector<1x16xf32>
        tpu.vector_store %arg13[%swap3A_1011, %swap3A_1012], %swap3A_1015 {strides = array<i32>} : memref<128x128xf32, #tpu.memory_space<vmem>>, vector<1x16xf32>,
        %get3A_1016 = arith.index_cast %add3A_942 : i32 to index
        %get3A_1017 = arith.constant 112 : index
        %get3A_1018 = tpu.vector_load %arg13[%get3A_1016, %get3A_1017] {strides = array<i32>} : memref<128x128xf32, #tpu.memory_space<vmem>>, vector<1x16xf32>,
        %get3A_1019 = vector.shape_cast %get3A_1018 : vector<1x16xf32> to vector<16xf32>
        %mul3A_1020 = arith.mulf %get3A_1019, %broadcast_in_dim3A_945 : vector<16xf32>
        %swap3A_1021 = arith.index_cast %add3A_942 : i32 to index
        %swap3A_1022 = arith.constant 112 : index
        %swap3A_1023 = tpu.vector_load %arg13[%swap3A_1021, %swap3A_1022] {strides = array<i32>} : memref<128x128xf32, #tpu.memory_space<vmem>>, vector<1x16xf32>,
        %swap3A_1024 = vector.shape_cast %swap3A_1023 : vector<1x16xf32> to vector<16xf32>
        %swap3A_1025 = vector.shape_cast %mul3A_1020 : vector<16xf32> to vector<1x16xf32>
        tpu.vector_store %arg13[%swap3A_1021, %swap3A_1022], %swap3A_1025 {strides = array<i32>} : memref<128x128xf32, #tpu.memory_space<vmem>>, vector<1x16xf32>,
        %mul3A_1026 = arith.constant 16 : i32
        %mul3A_1027 = arith.muli %scan3A_62, %mul3A_1026 : i32
        %add3A_1028 = arith.constant 11 : i32
        %add3A_1029 = arith.addi %mul3A_1027, %add3A_1028 : i32
        %slice3A_1030 = vector.extract_strided_slice %mul3A_72 {offsets = [11], sizes = [1], strides = [1]} : vector<16xf32> to vector<1xf32>
        %squeeze3A_1031 = vector.extract %slice3A_1030[0] : f32 from vector<1xf32>
        %broadcast_in_dim3A_1032 = vector.broadcast %squeeze3A_1031 : f32 to vector<16xf32>
        %get3A_1033 = arith.index_cast %add3A_1029 : i32 to index
        %get3A_1034 = arith.constant 0 : index
        %get3A_1035 = tpu.vector_load %arg13[%get3A_1033, %get3A_1034] {strides = array<i32>} : memref<128x128xf32, #tpu.memory_space<vmem>>, vector<1x16xf32>,
        %get3A_1036 = vector.shape_cast %get3A_1035 : vector<1x16xf32> to vector<16xf32>
        %mul3A_1037 = arith.mulf %get3A_1036, %broadcast_in_dim3A_1032 : vector<16xf32>
        %swap3A_1038 = arith.index_cast %add3A_1029 : i32 to index
        %swap3A_1039 = arith.constant 0 : index
        %swap3A_1040 = tpu.vector_load %arg13[%swap3A_1038, %swap3A_1039] {strides = array<i32>} : memref<128x128xf32, #tpu.memory_space<vmem>>, vector<1x16xf32>,
        %swap3A_1041 = vector.shape_cast %swap3A_1040 : vector<1x16xf32> to vector<16xf32>
        %swap3A_1042 = vector.shape_cast %mul3A_1037 : vector<16xf32> to vector<1x16xf32>
        tpu.vector_store %arg13[%swap3A_1038, %swap3A_1039], %swap3A_1042 {strides = array<i32>} : memref<128x128xf32, #tpu.memory_space<vmem>>, vector<1x16xf32>,
        %get3A_1043 = arith.index_cast %add3A_1029 : i32 to index
        %get3A_1044 = arith.constant 16 : index
        %get3A_1045 = tpu.vector_load %arg13[%get3A_1043, %get3A_1044] {strides = array<i32>} : memref<128x128xf32, #tpu.memory_space<vmem>>, vector<1x16xf32>,
        %get3A_1046 = vector.shape_cast %get3A_1045 : vector<1x16xf32> to vector<16xf32>
        %mul3A_1047 = arith.mulf %get3A_1046, %broadcast_in_dim3A_1032 : vector<16xf32>
        %swap3A_1048 = arith.index_cast %add3A_1029 : i32 to index
        %swap3A_1049 = arith.constant 16 : index
        %swap3A_1050 = tpu.vector_load %arg13[%swap3A_1048, %swap3A_1049] {strides = array<i32>} : memref<128x128xf32, #tpu.memory_space<vmem>>, vector<1x16xf32>,
        %swap3A_1051 = vector.shape_cast %swap3A_1050 : vector<1x16xf32> to vector<16xf32>
        %swap3A_1052 = vector.shape_cast %mul3A_1047 : vector<16xf32> to vector<1x16xf32>
        tpu.vector_store %arg13[%swap3A_1048, %swap3A_1049], %swap3A_1052 {strides = array<i32>} : memref<128x128xf32, #tpu.memory_space<vmem>>, vector<1x16xf32>,
        %get3A_1053 = arith.index_cast %add3A_1029 : i32 to index
        %get3A_1054 = arith.constant 32 : index
        %get3A_1055 = tpu.vector_load %arg13[%get3A_1053, %get3A_1054] {strides = array<i32>} : memref<128x128xf32, #tpu.memory_space<vmem>>, vector<1x16xf32>,
        %get3A_1056 = vector.shape_cast %get3A_1055 : vector<1x16xf32> to vector<16xf32>
        %mul3A_1057 = arith.mulf %get3A_1056, %broadcast_in_dim3A_1032 : vector<16xf32>
        %swap3A_1058 = arith.index_cast %add3A_1029 : i32 to index
        %swap3A_1059 = arith.constant 32 : index
        %swap3A_1060 = tpu.vector_load %arg13[%swap3A_1058, %swap3A_1059] {strides = array<i32>} : memref<128x128xf32, #tpu.memory_space<vmem>>, vector<1x16xf32>,
        %swap3A_1061 = vector.shape_cast %swap3A_1060 : vector<1x16xf32> to vector<16xf32>
        %swap3A_1062 = vector.shape_cast %mul3A_1057 : vector<16xf32> to vector<1x16xf32>
        tpu.vector_store %arg13[%swap3A_1058, %swap3A_1059], %swap3A_1062 {strides = array<i32>} : memref<128x128xf32, #tpu.memory_space<vmem>>, vector<1x16xf32>,
        %get3A_1063 = arith.index_cast %add3A_1029 : i32 to index
        %get3A_1064 = arith.constant 48 : index
        %get3A_1065 = tpu.vector_load %arg13[%get3A_1063, %get3A_1064] {strides = array<i32>} : memref<128x128xf32, #tpu.memory_space<vmem>>, vector<1x16xf32>,
        %get3A_1066 = vector.shape_cast %get3A_1065 : vector<1x16xf32> to vector<16xf32>
        %mul3A_1067 = arith.mulf %get3A_1066, %broadcast_in_dim3A_1032 : vector<16xf32>
        %swap3A_1068 = arith.index_cast %add3A_1029 : i32 to index
        %swap3A_1069 = arith.constant 48 : index
        %swap3A_1070 = tpu.vector_load %arg13[%swap3A_1068, %swap3A_1069] {strides = array<i32>} : memref<128x128xf32, #tpu.memory_space<vmem>>, vector<1x16xf32>,
        %swap3A_1071 = vector.shape_cast %swap3A_1070 : vector<1x16xf32> to vector<16xf32>
        %swap3A_1072 = vector.shape_cast %mul3A_1067 : vector<16xf32> to vector<1x16xf32>
        tpu.vector_store %arg13[%swap3A_1068, %swap3A_1069], %swap3A_1072 {strides = array<i32>} : memref<128x128xf32, #tpu.memory_space<vmem>>, vector<1x16xf32>,
        %get3A_1073 = arith.index_cast %add3A_1029 : i32 to index
        %get3A_1074 = arith.constant 64 : index
        %get3A_1075 = tpu.vector_load %arg13[%get3A_1073, %get3A_1074] {strides = array<i32>} : memref<128x128xf32, #tpu.memory_space<vmem>>, vector<1x16xf32>,
        %get3A_1076 = vector.shape_cast %get3A_1075 : vector<1x16xf32> to vector<16xf32>
        %mul3A_1077 = arith.mulf %get3A_1076, %broadcast_in_dim3A_1032 : vector<16xf32>
        %swap3A_1078 = arith.index_cast %add3A_1029 : i32 to index
        %swap3A_1079 = arith.constant 64 : index
        %swap3A_1080 = tpu.vector_load %arg13[%swap3A_1078, %swap3A_1079] {strides = array<i32>} : memref<128x128xf32, #tpu.memory_space<vmem>>, vector<1x16xf32>,
        %swap3A_1081 = vector.shape_cast %swap3A_1080 : vector<1x16xf32> to vector<16xf32>
        %swap3A_1082 = vector.shape_cast %mul3A_1077 : vector<16xf32> to vector<1x16xf32>
        tpu.vector_store %arg13[%swap3A_1078, %swap3A_1079], %swap3A_1082 {strides = array<i32>} : memref<128x128xf32, #tpu.memory_space<vmem>>, vector<1x16xf32>,
        %get3A_1083 = arith.index_cast %add3A_1029 : i32 to index
        %get3A_1084 = arith.constant 80 : index
        %get3A_1085 = tpu.vector_load %arg13[%get3A_1083, %get3A_1084] {strides = array<i32>} : memref<128x128xf32, #tpu.memory_space<vmem>>, vector<1x16xf32>,
        %get3A_1086 = vector.shape_cast %get3A_1085 : vector<1x16xf32> to vector<16xf32>
        %mul3A_1087 = arith.mulf %get3A_1086, %broadcast_in_dim3A_1032 : vector<16xf32>
        %swap3A_1088 = arith.index_cast %add3A_1029 : i32 to index
        %swap3A_1089 = arith.constant 80 : index
        %swap3A_1090 = tpu.vector_load %arg13[%swap3A_1088, %swap3A_1089] {strides = array<i32>} : memref<128x128xf32, #tpu.memory_space<vmem>>, vector<1x16xf32>,
        %swap3A_1091 = vector.shape_cast %swap3A_1090 : vector<1x16xf32> to vector<16xf32>
        %swap3A_1092 = vector.shape_cast %mul3A_1087 : vector<16xf32> to vector<1x16xf32>
        tpu.vector_store %arg13[%swap3A_1088, %swap3A_1089], %swap3A_1092 {strides = array<i32>} : memref<128x128xf32, #tpu.memory_space<vmem>>, vector<1x16xf32>,
        %get3A_1093 = arith.index_cast %add3A_1029 : i32 to index
        %get3A_1094 = arith.constant 96 : index
        %get3A_1095 = tpu.vector_load %arg13[%get3A_1093, %get3A_1094] {strides = array<i32>} : memref<128x128xf32, #tpu.memory_space<vmem>>, vector<1x16xf32>,
        %get3A_1096 = vector.shape_cast %get3A_1095 : vector<1x16xf32> to vector<16xf32>
        %mul3A_1097 = arith.mulf %get3A_1096, %broadcast_in_dim3A_1032 : vector<16xf32>
        %swap3A_1098 = arith.index_cast %add3A_1029 : i32 to index
        %swap3A_1099 = arith.constant 96 : index
        %swap3A_1100 = tpu.vector_load %arg13[%swap3A_1098, %swap3A_1099] {strides = array<i32>} : memref<128x128xf32, #tpu.memory_space<vmem>>, vector<1x16xf32>,
        %swap3A_1101 = vector.shape_cast %swap3A_1100 : vector<1x16xf32> to vector<16xf32>
        %swap3A_1102 = vector.shape_cast %mul3A_1097 : vector<16xf32> to vector<1x16xf32>
        tpu.vector_store %arg13[%swap3A_1098, %swap3A_1099], %swap3A_1102 {strides = array<i32>} : memref<128x128xf32, #tpu.memory_space<vmem>>, vector<1x16xf32>,
        %get3A_1103 = arith.index_cast %add3A_1029 : i32 to index
        %get3A_1104 = arith.constant 112 : index
        %get3A_1105 = tpu.vector_load %arg13[%get3A_1103, %get3A_1104] {strides = array<i32>} : memref<128x128xf32, #tpu.memory_space<vmem>>, vector<1x16xf32>,
        %get3A_1106 = vector.shape_cast %get3A_1105 : vector<1x16xf32> to vector<16xf32>
        %mul3A_1107 = arith.mulf %get3A_1106, %broadcast_in_dim3A_1032 : vector<16xf32>
        %swap3A_1108 = arith.index_cast %add3A_1029 : i32 to index
        %swap3A_1109 = arith.constant 112 : index
        %swap3A_1110 = tpu.vector_load %arg13[%swap3A_1108, %swap3A_1109] {strides = array<i32>} : memref<128x128xf32, #tpu.memory_space<vmem>>, vector<1x16xf32>,
        %swap3A_1111 = vector.shape_cast %swap3A_1110 : vector<1x16xf32> to vector<16xf32>
        %swap3A_1112 = vector.shape_cast %mul3A_1107 : vector<16xf32> to vector<1x16xf32>
        tpu.vector_store %arg13[%swap3A_1108, %swap3A_1109], %swap3A_1112 {strides = array<i32>} : memref<128x128xf32, #tpu.memory_space<vmem>>, vector<1x16xf32>,
        %mul3A_1113 = arith.constant 16 : i32
        %mul3A_1114 = arith.muli %scan3A_62, %mul3A_1113 : i32
        %add3A_1115 = arith.constant 12 : i32
        %add3A_1116 = arith.addi %mul3A_1114, %add3A_1115 : i32
        %slice3A_1117 = vector.extract_strided_slice %mul3A_72 {offsets = [12], sizes = [1], strides = [1]} : vector<16xf32> to vector<1xf32>
        %squeeze3A_1118 = vector.extract %slice3A_1117[0] : f32 from vector<1xf32>
        %broadcast_in_dim3A_1119 = vector.broadcast %squeeze3A_1118 : f32 to vector<16xf32>
        %get3A_1120 = arith.index_cast %add3A_1116 : i32 to index
        %get3A_1121 = arith.constant 0 : index
        %get3A_1122 = tpu.vector_load %arg13[%get3A_1120, %get3A_1121] {strides = array<i32>} : memref<128x128xf32, #tpu.memory_space<vmem>>, vector<1x16xf32>,
        %get3A_1123 = vector.shape_cast %get3A_1122 : vector<1x16xf32> to vector<16xf32>
        %mul3A_1124 = arith.mulf %get3A_1123, %broadcast_in_dim3A_1119 : vector<16xf32>
        %swap3A_1125 = arith.index_cast %add3A_1116 : i32 to index
        %swap3A_1126 = arith.constant 0 : index
        %swap3A_1127 = tpu.vector_load %arg13[%swap3A_1125, %swap3A_1126] {strides = array<i32>} : memref<128x128xf32, #tpu.memory_space<vmem>>, vector<1x16xf32>,
        %swap3A_1128 = vector.shape_cast %swap3A_1127 : vector<1x16xf32> to vector<16xf32>
        %swap3A_1129 = vector.shape_cast %mul3A_1124 : vector<16xf32> to vector<1x16xf32>
        tpu.vector_store %arg13[%swap3A_1125, %swap3A_1126], %swap3A_1129 {strides = array<i32>} : memref<128x128xf32, #tpu.memory_space<vmem>>, vector<1x16xf32>,
        %get3A_1130 = arith.index_cast %add3A_1116 : i32 to index
        %get3A_1131 = arith.constant 16 : index
        %get3A_1132 = tpu.vector_load %arg13[%get3A_1130, %get3A_1131] {strides = array<i32>} : memref<128x128xf32, #tpu.memory_space<vmem>>, vector<1x16xf32>,
        %get3A_1133 = vector.shape_cast %get3A_1132 : vector<1x16xf32> to vector<16xf32>
        %mul3A_1134 = arith.mulf %get3A_1133, %broadcast_in_dim3A_1119 : vector<16xf32>
        %swap3A_1135 = arith.index_cast %add3A_1116 : i32 to index
        %swap3A_1136 = arith.constant 16 : index
        %swap3A_1137 = tpu.vector_load %arg13[%swap3A_1135, %swap3A_1136] {strides = array<i32>} : memref<128x128xf32, #tpu.memory_space<vmem>>, vector<1x16xf32>,
        %swap3A_1138 = vector.shape_cast %swap3A_1137 : vector<1x16xf32> to vector<16xf32>
        %swap3A_1139 = vector.shape_cast %mul3A_1134 : vector<16xf32> to vector<1x16xf32>
        tpu.vector_store %arg13[%swap3A_1135, %swap3A_1136], %swap3A_1139 {strides = array<i32>} : memref<128x128xf32, #tpu.memory_space<vmem>>, vector<1x16xf32>,
        %get3A_1140 = arith.index_cast %add3A_1116 : i32 to index
        %get3A_1141 = arith.constant 32 : index
        %get3A_1142 = tpu.vector_load %arg13[%get3A_1140, %get3A_1141] {strides = array<i32>} : memref<128x128xf32, #tpu.memory_space<vmem>>, vector<1x16xf32>,
        %get3A_1143 = vector.shape_cast %get3A_1142 : vector<1x16xf32> to vector<16xf32>
        %mul3A_1144 = arith.mulf %get3A_1143, %broadcast_in_dim3A_1119 : vector<16xf32>
        %swap3A_1145 = arith.index_cast %add3A_1116 : i32 to index
        %swap3A_1146 = arith.constant 32 : index
        %swap3A_1147 = tpu.vector_load %arg13[%swap3A_1145, %swap3A_1146] {strides = array<i32>} : memref<128x128xf32, #tpu.memory_space<vmem>>, vector<1x16xf32>,
        %swap3A_1148 = vector.shape_cast %swap3A_1147 : vector<1x16xf32> to vector<16xf32>
        %swap3A_1149 = vector.shape_cast %mul3A_1144 : vector<16xf32> to vector<1x16xf32>
        tpu.vector_store %arg13[%swap3A_1145, %swap3A_1146], %swap3A_1149 {strides = array<i32>} : memref<128x128xf32, #tpu.memory_space<vmem>>, vector<1x16xf32>,
        %get3A_1150 = arith.index_cast %add3A_1116 : i32 to index
        %get3A_1151 = arith.constant 48 : index
        %get3A_1152 = tpu.vector_load %arg13[%get3A_1150, %get3A_1151] {strides = array<i32>} : memref<128x128xf32, #tpu.memory_space<vmem>>, vector<1x16xf32>,
        %get3A_1153 = vector.shape_cast %get3A_1152 : vector<1x16xf32> to vector<16xf32>
        %mul3A_1154 = arith.mulf %get3A_1153, %broadcast_in_dim3A_1119 : vector<16xf32>
        %swap3A_1155 = arith.index_cast %add3A_1116 : i32 to index
        %swap3A_1156 = arith.constant 48 : index
        %swap3A_1157 = tpu.vector_load %arg13[%swap3A_1155, %swap3A_1156] {strides = array<i32>} : memref<128x128xf32, #tpu.memory_space<vmem>>, vector<1x16xf32>,
        %swap3A_1158 = vector.shape_cast %swap3A_1157 : vector<1x16xf32> to vector<16xf32>
        %swap3A_1159 = vector.shape_cast %mul3A_1154 : vector<16xf32> to vector<1x16xf32>
        tpu.vector_store %arg13[%swap3A_1155, %swap3A_1156], %swap3A_1159 {strides = array<i32>} : memref<128x128xf32, #tpu.memory_space<vmem>>, vector<1x16xf32>,
        %get3A_1160 = arith.index_cast %add3A_1116 : i32 to index
        %get3A_1161 = arith.constant 64 : index
        %get3A_1162 = tpu.vector_load %arg13[%get3A_1160, %get3A_1161] {strides = array<i32>} : memref<128x128xf32, #tpu.memory_space<vmem>>, vector<1x16xf32>,
        %get3A_1163 = vector.shape_cast %get3A_1162 : vector<1x16xf32> to vector<16xf32>
        %mul3A_1164 = arith.mulf %get3A_1163, %broadcast_in_dim3A_1119 : vector<16xf32>
        %swap3A_1165 = arith.index_cast %add3A_1116 : i32 to index
        %swap3A_1166 = arith.constant 64 : index
        %swap3A_1167 = tpu.vector_load %arg13[%swap3A_1165, %swap3A_1166] {strides = array<i32>} : memref<128x128xf32, #tpu.memory_space<vmem>>, vector<1x16xf32>,
        %swap3A_1168 = vector.shape_cast %swap3A_1167 : vector<1x16xf32> to vector<16xf32>
        %swap3A_1169 = vector.shape_cast %mul3A_1164 : vector<16xf32> to vector<1x16xf32>
        tpu.vector_store %arg13[%swap3A_1165, %swap3A_1166], %swap3A_1169 {strides = array<i32>} : memref<128x128xf32, #tpu.memory_space<vmem>>, vector<1x16xf32>,
        %get3A_1170 = arith.index_cast %add3A_1116 : i32 to index
        %get3A_1171 = arith.constant 80 : index
        %get3A_1172 = tpu.vector_load %arg13[%get3A_1170, %get3A_1171] {strides = array<i32>} : memref<128x128xf32, #tpu.memory_space<vmem>>, vector<1x16xf32>,
        %get3A_1173 = vector.shape_cast %get3A_1172 : vector<1x16xf32> to vector<16xf32>
        %mul3A_1174 = arith.mulf %get3A_1173, %broadcast_in_dim3A_1119 : vector<16xf32>
        %swap3A_1175 = arith.index_cast %add3A_1116 : i32 to index
        %swap3A_1176 = arith.constant 80 : index
        %swap3A_1177 = tpu.vector_load %arg13[%swap3A_1175, %swap3A_1176] {strides = array<i32>} : memref<128x128xf32, #tpu.memory_space<vmem>>, vector<1x16xf32>,
        %swap3A_1178 = vector.shape_cast %swap3A_1177 : vector<1x16xf32> to vector<16xf32>
        %swap3A_1179 = vector.shape_cast %mul3A_1174 : vector<16xf32> to vector<1x16xf32>
        tpu.vector_store %arg13[%swap3A_1175, %swap3A_1176], %swap3A_1179 {strides = array<i32>} : memref<128x128xf32, #tpu.memory_space<vmem>>, vector<1x16xf32>,
        %get3A_1180 = arith.index_cast %add3A_1116 : i32 to index
        %get3A_1181 = arith.constant 96 : index
        %get3A_1182 = tpu.vector_load %arg13[%get3A_1180, %get3A_1181] {strides = array<i32>} : memref<128x128xf32, #tpu.memory_space<vmem>>, vector<1x16xf32>,
        %get3A_1183 = vector.shape_cast %get3A_1182 : vector<1x16xf32> to vector<16xf32>
        %mul3A_1184 = arith.mulf %get3A_1183, %broadcast_in_dim3A_1119 : vector<16xf32>
        %swap3A_1185 = arith.index_cast %add3A_1116 : i32 to index
        %swap3A_1186 = arith.constant 96 : index
        %swap3A_1187 = tpu.vector_load %arg13[%swap3A_1185, %swap3A_1186] {strides = array<i32>} : memref<128x128xf32, #tpu.memory_space<vmem>>, vector<1x16xf32>,
        %swap3A_1188 = vector.shape_cast %swap3A_1187 : vector<1x16xf32> to vector<16xf32>
        %swap3A_1189 = vector.shape_cast %mul3A_1184 : vector<16xf32> to vector<1x16xf32>
        tpu.vector_store %arg13[%swap3A_1185, %swap3A_1186], %swap3A_1189 {strides = array<i32>} : memref<128x128xf32, #tpu.memory_space<vmem>>, vector<1x16xf32>,
        %get3A_1190 = arith.index_cast %add3A_1116 : i32 to index
        %get3A_1191 = arith.constant 112 : index
        %get3A_1192 = tpu.vector_load %arg13[%get3A_1190, %get3A_1191] {strides = array<i32>} : memref<128x128xf32, #tpu.memory_space<vmem>>, vector<1x16xf32>,
        %get3A_1193 = vector.shape_cast %get3A_1192 : vector<1x16xf32> to vector<16xf32>
        %mul3A_1194 = arith.mulf %get3A_1193, %broadcast_in_dim3A_1119 : vector<16xf32>
        %swap3A_1195 = arith.index_cast %add3A_1116 : i32 to index
        %swap3A_1196 = arith.constant 112 : index
        %swap3A_1197 = tpu.vector_load %arg13[%swap3A_1195, %swap3A_1196] {strides = array<i32>} : memref<128x128xf32, #tpu.memory_space<vmem>>, vector<1x16xf32>,
        %swap3A_1198 = vector.shape_cast %swap3A_1197 : vector<1x16xf32> to vector<16xf32>
        %swap3A_1199 = vector.shape_cast %mul3A_1194 : vector<16xf32> to vector<1x16xf32>
        tpu.vector_store %arg13[%swap3A_1195, %swap3A_1196], %swap3A_1199 {strides = array<i32>} : memref<128x128xf32, #tpu.memory_space<vmem>>, vector<1x16xf32>,
        %mul3A_1200 = arith.constant 16 : i32
        %mul3A_1201 = arith.muli %scan3A_62, %mul3A_1200 : i32
        %add3A_1202 = arith.constant 13 : i32
        %add3A_1203 = arith.addi %mul3A_1201, %add3A_1202 : i32
        %slice3A_1204 = vector.extract_strided_slice %mul3A_72 {offsets = [13], sizes = [1], strides = [1]} : vector<16xf32> to vector<1xf32>
        %squeeze3A_1205 = vector.extract %slice3A_1204[0] : f32 from vector<1xf32>
        %broadcast_in_dim3A_1206 = vector.broadcast %squeeze3A_1205 : f32 to vector<16xf32>
        %get3A_1207 = arith.index_cast %add3A_1203 : i32 to index
        %get3A_1208 = arith.constant 0 : index
        %get3A_1209 = tpu.vector_load %arg13[%get3A_1207, %get3A_1208] {strides = array<i32>} : memref<128x128xf32, #tpu.memory_space<vmem>>, vector<1x16xf32>,
        %get3A_1210 = vector.shape_cast %get3A_1209 : vector<1x16xf32> to vector<16xf32>
        %mul3A_1211 = arith.mulf %get3A_1210, %broadcast_in_dim3A_1206 : vector<16xf32>
        %swap3A_1212 = arith.index_cast %add3A_1203 : i32 to index
        %swap3A_1213 = arith.constant 0 : index
        %swap3A_1214 = tpu.vector_load %arg13[%swap3A_1212, %swap3A_1213] {strides = array<i32>} : memref<128x128xf32, #tpu.memory_space<vmem>>, vector<1x16xf32>,
        %swap3A_1215 = vector.shape_cast %swap3A_1214 : vector<1x16xf32> to vector<16xf32>
        %swap3A_1216 = vector.shape_cast %mul3A_1211 : vector<16xf32> to vector<1x16xf32>
        tpu.vector_store %arg13[%swap3A_1212, %swap3A_1213], %swap3A_1216 {strides = array<i32>} : memref<128x128xf32, #tpu.memory_space<vmem>>, vector<1x16xf32>,
        %get3A_1217 = arith.index_cast %add3A_1203 : i32 to index
        %get3A_1218 = arith.constant 16 : index
        %get3A_1219 = tpu.vector_load %arg13[%get3A_1217, %get3A_1218] {strides = array<i32>} : memref<128x128xf32, #tpu.memory_space<vmem>>, vector<1x16xf32>,
        %get3A_1220 = vector.shape_cast %get3A_1219 : vector<1x16xf32> to vector<16xf32>
        %mul3A_1221 = arith.mulf %get3A_1220, %broadcast_in_dim3A_1206 : vector<16xf32>
        %swap3A_1222 = arith.index_cast %add3A_1203 : i32 to index
        %swap3A_1223 = arith.constant 16 : index
        %swap3A_1224 = tpu.vector_load %arg13[%swap3A_1222, %swap3A_1223] {strides = array<i32>} : memref<128x128xf32, #tpu.memory_space<vmem>>, vector<1x16xf32>,
        %swap3A_1225 = vector.shape_cast %swap3A_1224 : vector<1x16xf32> to vector<16xf32>
        %swap3A_1226 = vector.shape_cast %mul3A_1221 : vector<16xf32> to vector<1x16xf32>
        tpu.vector_store %arg13[%swap3A_1222, %swap3A_1223], %swap3A_1226 {strides = array<i32>} : memref<128x128xf32, #tpu.memory_space<vmem>>, vector<1x16xf32>,
        %get3A_1227 = arith.index_cast %add3A_1203 : i32 to index
        %get3A_1228 = arith.constant 32 : index
        %get3A_1229 = tpu.vector_load %arg13[%get3A_1227, %get3A_1228] {strides = array<i32>} : memref<128x128xf32, #tpu.memory_space<vmem>>, vector<1x16xf32>,
        %get3A_1230 = vector.shape_cast %get3A_1229 : vector<1x16xf32> to vector<16xf32>
        %mul3A_1231 = arith.mulf %get3A_1230, %broadcast_in_dim3A_1206 : vector<16xf32>
        %swap3A_1232 = arith.index_cast %add3A_1203 : i32 to index
        %swap3A_1233 = arith.constant 32 : index
        %swap3A_1234 = tpu.vector_load %arg13[%swap3A_1232, %swap3A_1233] {strides = array<i32>} : memref<128x128xf32, #tpu.memory_space<vmem>>, vector<1x16xf32>,
        %swap3A_1235 = vector.shape_cast %swap3A_1234 : vector<1x16xf32> to vector<16xf32>
        %swap3A_1236 = vector.shape_cast %mul3A_1231 : vector<16xf32> to vector<1x16xf32>
        tpu.vector_store %arg13[%swap3A_1232, %swap3A_1233], %swap3A_1236 {strides = array<i32>} : memref<128x128xf32, #tpu.memory_space<vmem>>, vector<1x16xf32>,
        %get3A_1237 = arith.index_cast %add3A_1203 : i32 to index
        %get3A_1238 = arith.constant 48 : index
        %get3A_1239 = tpu.vector_load %arg13[%get3A_1237, %get3A_1238] {strides = array<i32>} : memref<128x128xf32, #tpu.memory_space<vmem>>, vector<1x16xf32>,
        %get3A_1240 = vector.shape_cast %get3A_1239 : vector<1x16xf32> to vector<16xf32>
        %mul3A_1241 = arith.mulf %get3A_1240, %broadcast_in_dim3A_1206 : vector<16xf32>
        %swap3A_1242 = arith.index_cast %add3A_1203 : i32 to index
        %swap3A_1243 = arith.constant 48 : index
        %swap3A_1244 = tpu.vector_load %arg13[%swap3A_1242, %swap3A_1243] {strides = array<i32>} : memref<128x128xf32, #tpu.memory_space<vmem>>, vector<1x16xf32>,
        %swap3A_1245 = vector.shape_cast %swap3A_1244 : vector<1x16xf32> to vector<16xf32>
        %swap3A_1246 = vector.shape_cast %mul3A_1241 : vector<16xf32> to vector<1x16xf32>
        tpu.vector_store %arg13[%swap3A_1242, %swap3A_1243], %swap3A_1246 {strides = array<i32>} : memref<128x128xf32, #tpu.memory_space<vmem>>, vector<1x16xf32>,
        %get3A_1247 = arith.index_cast %add3A_1203 : i32 to index
        %get3A_1248 = arith.constant 64 : index
        %get3A_1249 = tpu.vector_load %arg13[%get3A_1247, %get3A_1248] {strides = array<i32>} : memref<128x128xf32, #tpu.memory_space<vmem>>, vector<1x16xf32>,
        %get3A_1250 = vector.shape_cast %get3A_1249 : vector<1x16xf32> to vector<16xf32>
        %mul3A_1251 = arith.mulf %get3A_1250, %broadcast_in_dim3A_1206 : vector<16xf32>
        %swap3A_1252 = arith.index_cast %add3A_1203 : i32 to index
        %swap3A_1253 = arith.constant 64 : index
        %swap3A_1254 = tpu.vector_load %arg13[%swap3A_1252, %swap3A_1253] {strides = array<i32>} : memref<128x128xf32, #tpu.memory_space<vmem>>, vector<1x16xf32>,
        %swap3A_1255 = vector.shape_cast %swap3A_1254 : vector<1x16xf32> to vector<16xf32>
        %swap3A_1256 = vector.shape_cast %mul3A_1251 : vector<16xf32> to vector<1x16xf32>
        tpu.vector_store %arg13[%swap3A_1252, %swap3A_1253], %swap3A_1256 {strides = array<i32>} : memref<128x128xf32, #tpu.memory_space<vmem>>, vector<1x16xf32>,
        %get3A_1257 = arith.index_cast %add3A_1203 : i32 to index
        %get3A_1258 = arith.constant 80 : index
        %get3A_1259 = tpu.vector_load %arg13[%get3A_1257, %get3A_1258] {strides = array<i32>} : memref<128x128xf32, #tpu.memory_space<vmem>>, vector<1x16xf32>,
        %get3A_1260 = vector.shape_cast %get3A_1259 : vector<1x16xf32> to vector<16xf32>
        %mul3A_1261 = arith.mulf %get3A_1260, %broadcast_in_dim3A_1206 : vector<16xf32>
        %swap3A_1262 = arith.index_cast %add3A_1203 : i32 to index
        %swap3A_1263 = arith.constant 80 : index
        %swap3A_1264 = tpu.vector_load %arg13[%swap3A_1262, %swap3A_1263] {strides = array<i32>} : memref<128x128xf32, #tpu.memory_space<vmem>>, vector<1x16xf32>,
        %swap3A_1265 = vector.shape_cast %swap3A_1264 : vector<1x16xf32> to vector<16xf32>
        %swap3A_1266 = vector.shape_cast %mul3A_1261 : vector<16xf32> to vector<1x16xf32>
        tpu.vector_store %arg13[%swap3A_1262, %swap3A_1263], %swap3A_1266 {strides = array<i32>} : memref<128x128xf32, #tpu.memory_space<vmem>>, vector<1x16xf32>,
        %get3A_1267 = arith.index_cast %add3A_1203 : i32 to index
        %get3A_1268 = arith.constant 96 : index
        %get3A_1269 = tpu.vector_load %arg13[%get3A_1267, %get3A_1268] {strides = array<i32>} : memref<128x128xf32, #tpu.memory_space<vmem>>, vector<1x16xf32>,
        %get3A_1270 = vector.shape_cast %get3A_1269 : vector<1x16xf32> to vector<16xf32>
        %mul3A_1271 = arith.mulf %get3A_1270, %broadcast_in_dim3A_1206 : vector<16xf32>
        %swap3A_1272 = arith.index_cast %add3A_1203 : i32 to index
        %swap3A_1273 = arith.constant 96 : index
        %swap3A_1274 = tpu.vector_load %arg13[%swap3A_1272, %swap3A_1273] {strides = array<i32>} : memref<128x128xf32, #tpu.memory_space<vmem>>, vector<1x16xf32>,
        %swap3A_1275 = vector.shape_cast %swap3A_1274 : vector<1x16xf32> to vector<16xf32>
        %swap3A_1276 = vector.shape_cast %mul3A_1271 : vector<16xf32> to vector<1x16xf32>
        tpu.vector_store %arg13[%swap3A_1272, %swap3A_1273], %swap3A_1276 {strides = array<i32>} : memref<128x128xf32, #tpu.memory_space<vmem>>, vector<1x16xf32>,
        %get3A_1277 = arith.index_cast %add3A_1203 : i32 to index
        %get3A_1278 = arith.constant 112 : index
        %get3A_1279 = tpu.vector_load %arg13[%get3A_1277, %get3A_1278] {strides = array<i32>} : memref<128x128xf32, #tpu.memory_space<vmem>>, vector<1x16xf32>,
        %get3A_1280 = vector.shape_cast %get3A_1279 : vector<1x16xf32> to vector<16xf32>
        %mul3A_1281 = arith.mulf %get3A_1280, %broadcast_in_dim3A_1206 : vector<16xf32>
        %swap3A_1282 = arith.index_cast %add3A_1203 : i32 to index
        %swap3A_1283 = arith.constant 112 : index
        %swap3A_1284 = tpu.vector_load %arg13[%swap3A_1282, %swap3A_1283] {strides = array<i32>} : memref<128x128xf32, #tpu.memory_space<vmem>>, vector<1x16xf32>,
        %swap3A_1285 = vector.shape_cast %swap3A_1284 : vector<1x16xf32> to vector<16xf32>
        %swap3A_1286 = vector.shape_cast %mul3A_1281 : vector<16xf32> to vector<1x16xf32>
        tpu.vector_store %arg13[%swap3A_1282, %swap3A_1283], %swap3A_1286 {strides = array<i32>} : memref<128x128xf32, #tpu.memory_space<vmem>>, vector<1x16xf32>,
        %mul3A_1287 = arith.constant 16 : i32
        %mul3A_1288 = arith.muli %scan3A_62, %mul3A_1287 : i32
        %add3A_1289 = arith.constant 14 : i32
        %add3A_1290 = arith.addi %mul3A_1288, %add3A_1289 : i32
        %slice3A_1291 = vector.extract_strided_slice %mul3A_72 {offsets = [14], sizes = [1], strides = [1]} : vector<16xf32> to vector<1xf32>
        %squeeze3A_1292 = vector.extract %slice3A_1291[0] : f32 from vector<1xf32>
        %broadcast_in_dim3A_1293 = vector.broadcast %squeeze3A_1292 : f32 to vector<16xf32>
        %get3A_1294 = arith.index_cast %add3A_1290 : i32 to index
        %get3A_1295 = arith.constant 0 : index
        %get3A_1296 = tpu.vector_load %arg13[%get3A_1294, %get3A_1295] {strides = array<i32>} : memref<128x128xf32, #tpu.memory_space<vmem>>, vector<1x16xf32>,
        %get3A_1297 = vector.shape_cast %get3A_1296 : vector<1x16xf32> to vector<16xf32>
        %mul3A_1298 = arith.mulf %get3A_1297, %broadcast_in_dim3A_1293 : vector<16xf32>
        %swap3A_1299 = arith.index_cast %add3A_1290 : i32 to index
        %swap3A_1300 = arith.constant 0 : index
        %swap3A_1301 = tpu.vector_load %arg13[%swap3A_1299, %swap3A_1300] {strides = array<i32>} : memref<128x128xf32, #tpu.memory_space<vmem>>, vector<1x16xf32>,
        %swap3A_1302 = vector.shape_cast %swap3A_1301 : vector<1x16xf32> to vector<16xf32>
        %swap3A_1303 = vector.shape_cast %mul3A_1298 : vector<16xf32> to vector<1x16xf32>
        tpu.vector_store %arg13[%swap3A_1299, %swap3A_1300], %swap3A_1303 {strides = array<i32>} : memref<128x128xf32, #tpu.memory_space<vmem>>, vector<1x16xf32>,
        %get3A_1304 = arith.index_cast %add3A_1290 : i32 to index
        %get3A_1305 = arith.constant 16 : index
        %get3A_1306 = tpu.vector_load %arg13[%get3A_1304, %get3A_1305] {strides = array<i32>} : memref<128x128xf32, #tpu.memory_space<vmem>>, vector<1x16xf32>,
        %get3A_1307 = vector.shape_cast %get3A_1306 : vector<1x16xf32> to vector<16xf32>
        %mul3A_1308 = arith.mulf %get3A_1307, %broadcast_in_dim3A_1293 : vector<16xf32>
        %swap3A_1309 = arith.index_cast %add3A_1290 : i32 to index
        %swap3A_1310 = arith.constant 16 : index
        %swap3A_1311 = tpu.vector_load %arg13[%swap3A_1309, %swap3A_1310] {strides = array<i32>} : memref<128x128xf32, #tpu.memory_space<vmem>>, vector<1x16xf32>,
        %swap3A_1312 = vector.shape_cast %swap3A_1311 : vector<1x16xf32> to vector<16xf32>
        %swap3A_1313 = vector.shape_cast %mul3A_1308 : vector<16xf32> to vector<1x16xf32>
        tpu.vector_store %arg13[%swap3A_1309, %swap3A_1310], %swap3A_1313 {strides = array<i32>} : memref<128x128xf32, #tpu.memory_space<vmem>>, vector<1x16xf32>,
        %get3A_1314 = arith.index_cast %add3A_1290 : i32 to index
        %get3A_1315 = arith.constant 32 : index
        %get3A_1316 = tpu.vector_load %arg13[%get3A_1314, %get3A_1315] {strides = array<i32>} : memref<128x128xf32, #tpu.memory_space<vmem>>, vector<1x16xf32>,
        %get3A_1317 = vector.shape_cast %get3A_1316 : vector<1x16xf32> to vector<16xf32>
        %mul3A_1318 = arith.mulf %get3A_1317, %broadcast_in_dim3A_1293 : vector<16xf32>
        %swap3A_1319 = arith.index_cast %add3A_1290 : i32 to index
        %swap3A_1320 = arith.constant 32 : index
        %swap3A_1321 = tpu.vector_load %arg13[%swap3A_1319, %swap3A_1320] {strides = array<i32>} : memref<128x128xf32, #tpu.memory_space<vmem>>, vector<1x16xf32>,
        %swap3A_1322 = vector.shape_cast %swap3A_1321 : vector<1x16xf32> to vector<16xf32>
        %swap3A_1323 = vector.shape_cast %mul3A_1318 : vector<16xf32> to vector<1x16xf32>
        tpu.vector_store %arg13[%swap3A_1319, %swap3A_1320], %swap3A_1323 {strides = array<i32>} : memref<128x128xf32, #tpu.memory_space<vmem>>, vector<1x16xf32>,
        %get3A_1324 = arith.index_cast %add3A_1290 : i32 to index
        %get3A_1325 = arith.constant 48 : index
        %get3A_1326 = tpu.vector_load %arg13[%get3A_1324, %get3A_1325] {strides = array<i32>} : memref<128x128xf32, #tpu.memory_space<vmem>>, vector<1x16xf32>,
        %get3A_1327 = vector.shape_cast %get3A_1326 : vector<1x16xf32> to vector<16xf32>
        %mul3A_1328 = arith.mulf %get3A_1327, %broadcast_in_dim3A_1293 : vector<16xf32>
        %swap3A_1329 = arith.index_cast %add3A_1290 : i32 to index
        %swap3A_1330 = arith.constant 48 : index
        %swap3A_1331 = tpu.vector_load %arg13[%swap3A_1329, %swap3A_1330] {strides = array<i32>} : memref<128x128xf32, #tpu.memory_space<vmem>>, vector<1x16xf32>,
        %swap3A_1332 = vector.shape_cast %swap3A_1331 : vector<1x16xf32> to vector<16xf32>
        %swap3A_1333 = vector.shape_cast %mul3A_1328 : vector<16xf32> to vector<1x16xf32>
        tpu.vector_store %arg13[%swap3A_1329, %swap3A_1330], %swap3A_1333 {strides = array<i32>} : memref<128x128xf32, #tpu.memory_space<vmem>>, vector<1x16xf32>,
        %get3A_1334 = arith.index_cast %add3A_1290 : i32 to index
        %get3A_1335 = arith.constant 64 : index
        %get3A_1336 = tpu.vector_load %arg13[%get3A_1334, %get3A_1335] {strides = array<i32>} : memref<128x128xf32, #tpu.memory_space<vmem>>, vector<1x16xf32>,
        %get3A_1337 = vector.shape_cast %get3A_1336 : vector<1x16xf32> to vector<16xf32>
        %mul3A_1338 = arith.mulf %get3A_1337, %broadcast_in_dim3A_1293 : vector<16xf32>
        %swap3A_1339 = arith.index_cast %add3A_1290 : i32 to index
        %swap3A_1340 = arith.constant 64 : index
        %swap3A_1341 = tpu.vector_load %arg13[%swap3A_1339, %swap3A_1340] {strides = array<i32>} : memref<128x128xf32, #tpu.memory_space<vmem>>, vector<1x16xf32>,
        %swap3A_1342 = vector.shape_cast %swap3A_1341 : vector<1x16xf32> to vector<16xf32>
        %swap3A_1343 = vector.shape_cast %mul3A_1338 : vector<16xf32> to vector<1x16xf32>
        tpu.vector_store %arg13[%swap3A_1339, %swap3A_1340], %swap3A_1343 {strides = array<i32>} : memref<128x128xf32, #tpu.memory_space<vmem>>, vector<1x16xf32>,
        %get3A_1344 = arith.index_cast %add3A_1290 : i32 to index
        %get3A_1345 = arith.constant 80 : index
        %get3A_1346 = tpu.vector_load %arg13[%get3A_1344, %get3A_1345] {strides = array<i32>} : memref<128x128xf32, #tpu.memory_space<vmem>>, vector<1x16xf32>,
        %get3A_1347 = vector.shape_cast %get3A_1346 : vector<1x16xf32> to vector<16xf32>
        %mul3A_1348 = arith.mulf %get3A_1347, %broadcast_in_dim3A_1293 : vector<16xf32>
        %swap3A_1349 = arith.index_cast %add3A_1290 : i32 to index
        %swap3A_1350 = arith.constant 80 : index
        %swap3A_1351 = tpu.vector_load %arg13[%swap3A_1349, %swap3A_1350] {strides = array<i32>} : memref<128x128xf32, #tpu.memory_space<vmem>>, vector<1x16xf32>,
        %swap3A_1352 = vector.shape_cast %swap3A_1351 : vector<1x16xf32> to vector<16xf32>
        %swap3A_1353 = vector.shape_cast %mul3A_1348 : vector<16xf32> to vector<1x16xf32>
        tpu.vector_store %arg13[%swap3A_1349, %swap3A_1350], %swap3A_1353 {strides = array<i32>} : memref<128x128xf32, #tpu.memory_space<vmem>>, vector<1x16xf32>,
        %get3A_1354 = arith.index_cast %add3A_1290 : i32 to index
        %get3A_1355 = arith.constant 96 : index
        %get3A_1356 = tpu.vector_load %arg13[%get3A_1354, %get3A_1355] {strides = array<i32>} : memref<128x128xf32, #tpu.memory_space<vmem>>, vector<1x16xf32>,
        %get3A_1357 = vector.shape_cast %get3A_1356 : vector<1x16xf32> to vector<16xf32>
        %mul3A_1358 = arith.mulf %get3A_1357, %broadcast_in_dim3A_1293 : vector<16xf32>
        %swap3A_1359 = arith.index_cast %add3A_1290 : i32 to index
        %swap3A_1360 = arith.constant 96 : index
        %swap3A_1361 = tpu.vector_load %arg13[%swap3A_1359, %swap3A_1360] {strides = array<i32>} : memref<128x128xf32, #tpu.memory_space<vmem>>, vector<1x16xf32>,
        %swap3A_1362 = vector.shape_cast %swap3A_1361 : vector<1x16xf32> to vector<16xf32>
        %swap3A_1363 = vector.shape_cast %mul3A_1358 : vector<16xf32> to vector<1x16xf32>
        tpu.vector_store %arg13[%swap3A_1359, %swap3A_1360], %swap3A_1363 {strides = array<i32>} : memref<128x128xf32, #tpu.memory_space<vmem>>, vector<1x16xf32>,
        %get3A_1364 = arith.index_cast %add3A_1290 : i32 to index
        %get3A_1365 = arith.constant 112 : index
        %get3A_1366 = tpu.vector_load %arg13[%get3A_1364, %get3A_1365] {strides = array<i32>} : memref<128x128xf32, #tpu.memory_space<vmem>>, vector<1x16xf32>,
        %get3A_1367 = vector.shape_cast %get3A_1366 : vector<1x16xf32> to vector<16xf32>
        %mul3A_1368 = arith.mulf %get3A_1367, %broadcast_in_dim3A_1293 : vector<16xf32>
        %swap3A_1369 = arith.index_cast %add3A_1290 : i32 to index
        %swap3A_1370 = arith.constant 112 : index
        %swap3A_1371 = tpu.vector_load %arg13[%swap3A_1369, %swap3A_1370] {strides = array<i32>} : memref<128x128xf32, #tpu.memory_space<vmem>>, vector<1x16xf32>,
        %swap3A_1372 = vector.shape_cast %swap3A_1371 : vector<1x16xf32> to vector<16xf32>
        %swap3A_1373 = vector.shape_cast %mul3A_1368 : vector<16xf32> to vector<1x16xf32>
        tpu.vector_store %arg13[%swap3A_1369, %swap3A_1370], %swap3A_1373 {strides = array<i32>} : memref<128x128xf32, #tpu.memory_space<vmem>>, vector<1x16xf32>,
        %mul3A_1374 = arith.constant 16 : i32
        %mul3A_1375 = arith.muli %scan3A_62, %mul3A_1374 : i32
        %add3A_1376 = arith.constant 15 : i32
        %add3A_1377 = arith.addi %mul3A_1375, %add3A_1376 : i32
        %slice3A_1378 = vector.extract_strided_slice %mul3A_72 {offsets = [15], sizes = [1], strides = [1]} : vector<16xf32> to vector<1xf32>
        %squeeze3A_1379 = vector.extract %slice3A_1378[0] : f32 from vector<1xf32>
        %broadcast_in_dim3A_1380 = vector.broadcast %squeeze3A_1379 : f32 to vector<16xf32>
        %get3A_1381 = arith.index_cast %add3A_1377 : i32 to index
        %get3A_1382 = arith.constant 0 : index
        %get3A_1383 = tpu.vector_load %arg13[%get3A_1381, %get3A_1382] {strides = array<i32>} : memref<128x128xf32, #tpu.memory_space<vmem>>, vector<1x16xf32>,
        %get3A_1384 = vector.shape_cast %get3A_1383 : vector<1x16xf32> to vector<16xf32>
        %mul3A_1385 = arith.mulf %get3A_1384, %broadcast_in_dim3A_1380 : vector<16xf32>
        %swap3A_1386 = arith.index_cast %add3A_1377 : i32 to index
        %swap3A_1387 = arith.constant 0 : index
        %swap3A_1388 = tpu.vector_load %arg13[%swap3A_1386, %swap3A_1387] {strides = array<i32>} : memref<128x128xf32, #tpu.memory_space<vmem>>, vector<1x16xf32>,
        %swap3A_1389 = vector.shape_cast %swap3A_1388 : vector<1x16xf32> to vector<16xf32>
        %swap3A_1390 = vector.shape_cast %mul3A_1385 : vector<16xf32> to vector<1x16xf32>
        tpu.vector_store %arg13[%swap3A_1386, %swap3A_1387], %swap3A_1390 {strides = array<i32>} : memref<128x128xf32, #tpu.memory_space<vmem>>, vector<1x16xf32>,
        %get3A_1391 = arith.index_cast %add3A_1377 : i32 to index
        %get3A_1392 = arith.constant 16 : index
        %get3A_1393 = tpu.vector_load %arg13[%get3A_1391, %get3A_1392] {strides = array<i32>} : memref<128x128xf32, #tpu.memory_space<vmem>>, vector<1x16xf32>,
        %get3A_1394 = vector.shape_cast %get3A_1393 : vector<1x16xf32> to vector<16xf32>
        %mul3A_1395 = arith.mulf %get3A_1394, %broadcast_in_dim3A_1380 : vector<16xf32>
        %swap3A_1396 = arith.index_cast %add3A_1377 : i32 to index
        %swap3A_1397 = arith.constant 16 : index
        %swap3A_1398 = tpu.vector_load %arg13[%swap3A_1396, %swap3A_1397] {strides = array<i32>} : memref<128x128xf32, #tpu.memory_space<vmem>>, vector<1x16xf32>,
        %swap3A_1399 = vector.shape_cast %swap3A_1398 : vector<1x16xf32> to vector<16xf32>
        %swap3A_1400 = vector.shape_cast %mul3A_1395 : vector<16xf32> to vector<1x16xf32>
        tpu.vector_store %arg13[%swap3A_1396, %swap3A_1397], %swap3A_1400 {strides = array<i32>} : memref<128x128xf32, #tpu.memory_space<vmem>>, vector<1x16xf32>,
        %get3A_1401 = arith.index_cast %add3A_1377 : i32 to index
        %get3A_1402 = arith.constant 32 : index
        %get3A_1403 = tpu.vector_load %arg13[%get3A_1401, %get3A_1402] {strides = array<i32>} : memref<128x128xf32, #tpu.memory_space<vmem>>, vector<1x16xf32>,
        %get3A_1404 = vector.shape_cast %get3A_1403 : vector<1x16xf32> to vector<16xf32>
        %mul3A_1405 = arith.mulf %get3A_1404, %broadcast_in_dim3A_1380 : vector<16xf32>
        %swap3A_1406 = arith.index_cast %add3A_1377 : i32 to index
        %swap3A_1407 = arith.constant 32 : index
        %swap3A_1408 = tpu.vector_load %arg13[%swap3A_1406, %swap3A_1407] {strides = array<i32>} : memref<128x128xf32, #tpu.memory_space<vmem>>, vector<1x16xf32>,
        %swap3A_1409 = vector.shape_cast %swap3A_1408 : vector<1x16xf32> to vector<16xf32>
        %swap3A_1410 = vector.shape_cast %mul3A_1405 : vector<16xf32> to vector<1x16xf32>
        tpu.vector_store %arg13[%swap3A_1406, %swap3A_1407], %swap3A_1410 {strides = array<i32>} : memref<128x128xf32, #tpu.memory_space<vmem>>, vector<1x16xf32>,
        %get3A_1411 = arith.index_cast %add3A_1377 : i32 to index
        %get3A_1412 = arith.constant 48 : index
        %get3A_1413 = tpu.vector_load %arg13[%get3A_1411, %get3A_1412] {strides = array<i32>} : memref<128x128xf32, #tpu.memory_space<vmem>>, vector<1x16xf32>,
        %get3A_1414 = vector.shape_cast %get3A_1413 : vector<1x16xf32> to vector<16xf32>
        %mul3A_1415 = arith.mulf %get3A_1414, %broadcast_in_dim3A_1380 : vector<16xf32>
        %swap3A_1416 = arith.index_cast %add3A_1377 : i32 to index
        %swap3A_1417 = arith.constant 48 : index
        %swap3A_1418 = tpu.vector_load %arg13[%swap3A_1416, %swap3A_1417] {strides = array<i32>} : memref<128x128xf32, #tpu.memory_space<vmem>>, vector<1x16xf32>,
        %swap3A_1419 = vector.shape_cast %swap3A_1418 : vector<1x16xf32> to vector<16xf32>
        %swap3A_1420 = vector.shape_cast %mul3A_1415 : vector<16xf32> to vector<1x16xf32>
        tpu.vector_store %arg13[%swap3A_1416, %swap3A_1417], %swap3A_1420 {strides = array<i32>} : memref<128x128xf32, #tpu.memory_space<vmem>>, vector<1x16xf32>,
        %get3A_1421 = arith.index_cast %add3A_1377 : i32 to index
        %get3A_1422 = arith.constant 64 : index
        %get3A_1423 = tpu.vector_load %arg13[%get3A_1421, %get3A_1422] {strides = array<i32>} : memref<128x128xf32, #tpu.memory_space<vmem>>, vector<1x16xf32>,
        %get3A_1424 = vector.shape_cast %get3A_1423 : vector<1x16xf32> to vector<16xf32>
        %mul3A_1425 = arith.mulf %get3A_1424, %broadcast_in_dim3A_1380 : vector<16xf32>
        %swap3A_1426 = arith.index_cast %add3A_1377 : i32 to index
        %swap3A_1427 = arith.constant 64 : index
        %swap3A_1428 = tpu.vector_load %arg13[%swap3A_1426, %swap3A_1427] {strides = array<i32>} : memref<128x128xf32, #tpu.memory_space<vmem>>, vector<1x16xf32>,
        %swap3A_1429 = vector.shape_cast %swap3A_1428 : vector<1x16xf32> to vector<16xf32>
        %swap3A_1430 = vector.shape_cast %mul3A_1425 : vector<16xf32> to vector<1x16xf32>
        tpu.vector_store %arg13[%swap3A_1426, %swap3A_1427], %swap3A_1430 {strides = array<i32>} : memref<128x128xf32, #tpu.memory_space<vmem>>, vector<1x16xf32>,
        %get3A_1431 = arith.index_cast %add3A_1377 : i32 to index
        %get3A_1432 = arith.constant 80 : index
        %get3A_1433 = tpu.vector_load %arg13[%get3A_1431, %get3A_1432] {strides = array<i32>} : memref<128x128xf32, #tpu.memory_space<vmem>>, vector<1x16xf32>,
        %get3A_1434 = vector.shape_cast %get3A_1433 : vector<1x16xf32> to vector<16xf32>
        %mul3A_1435 = arith.mulf %get3A_1434, %broadcast_in_dim3A_1380 : vector<16xf32>
        %swap3A_1436 = arith.index_cast %add3A_1377 : i32 to index
        %swap3A_1437 = arith.constant 80 : index
        %swap3A_1438 = tpu.vector_load %arg13[%swap3A_1436, %swap3A_1437] {strides = array<i32>} : memref<128x128xf32, #tpu.memory_space<vmem>>, vector<1x16xf32>,
        %swap3A_1439 = vector.shape_cast %swap3A_1438 : vector<1x16xf32> to vector<16xf32>
        %swap3A_1440 = vector.shape_cast %mul3A_1435 : vector<16xf32> to vector<1x16xf32>
        tpu.vector_store %arg13[%swap3A_1436, %swap3A_1437], %swap3A_1440 {strides = array<i32>} : memref<128x128xf32, #tpu.memory_space<vmem>>, vector<1x16xf32>,
        %get3A_1441 = arith.index_cast %add3A_1377 : i32 to index
        %get3A_1442 = arith.constant 96 : index
        %get3A_1443 = tpu.vector_load %arg13[%get3A_1441, %get3A_1442] {strides = array<i32>} : memref<128x128xf32, #tpu.memory_space<vmem>>, vector<1x16xf32>,
        %get3A_1444 = vector.shape_cast %get3A_1443 : vector<1x16xf32> to vector<16xf32>
        %mul3A_1445 = arith.mulf %get3A_1444, %broadcast_in_dim3A_1380 : vector<16xf32>
        %swap3A_1446 = arith.index_cast %add3A_1377 : i32 to index
        %swap3A_1447 = arith.constant 96 : index
        %swap3A_1448 = tpu.vector_load %arg13[%swap3A_1446, %swap3A_1447] {strides = array<i32>} : memref<128x128xf32, #tpu.memory_space<vmem>>, vector<1x16xf32>,
        %swap3A_1449 = vector.shape_cast %swap3A_1448 : vector<1x16xf32> to vector<16xf32>
        %swap3A_1450 = vector.shape_cast %mul3A_1445 : vector<16xf32> to vector<1x16xf32>
        tpu.vector_store %arg13[%swap3A_1446, %swap3A_1447], %swap3A_1450 {strides = array<i32>} : memref<128x128xf32, #tpu.memory_space<vmem>>, vector<1x16xf32>,
        %get3A_1451 = arith.index_cast %add3A_1377 : i32 to index
        %get3A_1452 = arith.constant 112 : index
        %get3A_1453 = tpu.vector_load %arg13[%get3A_1451, %get3A_1452] {strides = array<i32>} : memref<128x128xf32, #tpu.memory_space<vmem>>, vector<1x16xf32>,
        %get3A_1454 = vector.shape_cast %get3A_1453 : vector<1x16xf32> to vector<16xf32>
        %mul3A_1455 = arith.mulf %get3A_1454, %broadcast_in_dim3A_1380 : vector<16xf32>
        %swap3A_1456 = arith.index_cast %add3A_1377 : i32 to index
        %swap3A_1457 = arith.constant 112 : index
        %swap3A_1458 = tpu.vector_load %arg13[%swap3A_1456, %swap3A_1457] {strides = array<i32>} : memref<128x128xf32, #tpu.memory_space<vmem>>, vector<1x16xf32>,
        %swap3A_1459 = vector.shape_cast %swap3A_1458 : vector<1x16xf32> to vector<16xf32>
        %swap3A_1460 = vector.shape_cast %mul3A_1455 : vector<16xf32> to vector<1x16xf32>
        tpu.vector_store %arg13[%swap3A_1456, %swap3A_1457], %swap3A_1460 {strides = array<i32>} : memref<128x128xf32, #tpu.memory_space<vmem>>, vector<1x16xf32>,
      }
      %scan3A_61 = arith.constant 8 : i32
      "tpu.region"() ({
        %run_scoped3A = tpu.sem_alloc : memref<!tpu.dma_semaphore, #tpu.memory_space<semaphore_mem>>
        %dma_start3A_62 = arith.constant 0 : i32
        %dma_start3A_63 = arith.constant 0 : i32
        %dma_start3A_64 = tpu.memref_slice %arg15[%dma_start3A_62, %dma_start3A_63] : memref<10240x128xf32, #tpu.memory_space<vmem_shared>> -> memref<10240x128xf32, #tpu.memory_space<vmem_shared>>
        tpu.enqueue_indirect_dma source(%arg13 : memref<128x128xf32, #tpu.memory_space<vmem>>) target(%dma_start3A_64 : memref<10240x128xf32, #tpu.memory_space<vmem_shared>>) offsets(%arg10 : memref<128xi32, #tpu.memory_space<vmem>>) semaphore(%run_scoped3A : memref<!tpu.dma_semaphore, #tpu.memory_space<semaphore_mem>>) {add = true}
        %dma_wait3A_65 = arith.constant 0 : i32
        %dma_wait3A_66 = arith.constant 0 : i32
        %dma_wait3A_67 = tpu.memref_slice %arg15[%dma_wait3A_65, %dma_wait3A_66] : memref<10240x128xf32, #tpu.memory_space<vmem_shared>> -> memref<10240x128xf32, #tpu.memory_space<vmem_shared>>
        tpu.wait_indirect_dma semaphore(%run_scoped3A : memref<!tpu.dma_semaphore, #tpu.memory_space<semaphore_mem>>) src(%arg13 : memref<128x128xf32, #tpu.memory_space<vmem>>) dst(%dma_wait3A_67 : memref<10240x128xf32, #tpu.memory_space<vmem_shared>>)
        tpu.yield
      }) : () -> ()
    }
    %scan3A_40 = arith.constant 79 : i32
    %barrier3A_41 = arith.constant 0 : index
    tpu.barrier barrier_id(%barrier3A_41)
    %mul3A_42 = arith.constant 640 : i32
    %mul3A_43 = arith.muli %arg1, %mul3A_42 : i32
    %mul3A_44 = arith.constant 640 : i32
    %mul3A_45 = arith.muli %arg1, %mul3A_44 : i32
    "tpu.region"() ({
      %run_scoped3A = tpu.sem_alloc : memref<!tpu.dma_semaphore, #tpu.memory_space<semaphore_mem>>
      %dma_start3A = arith.constant 0 : i32
      %dma_start3A_46 = tpu.memref_slice %arg8[%arg0, %mul3A_45, %dma_start3A] : memref<2x10240x128xf32, #tpu.memory_space<hbm>> -> memref<1x640x128xf32, #tpu.memory_space<hbm>>
      %dma_start3A_47 = tpu.memref_squeeze %dma_start3A_46 : memref<1x640x128xf32, #tpu.memory_space<hbm>> -> memref<640x128xf32, #tpu.memory_space<hbm>>
      %dma_start3A_48 = arith.constant 0 : i32
      %dma_start3A_49 = tpu.memref_slice %arg15[%mul3A_43, %dma_start3A_48] : memref<10240x128xf32, #tpu.memory_space<vmem_shared>> -> memref<640x128xf32, #tpu.memory_space<vmem_shared>>
      tpu.enqueue_dma source(%dma_start3A_49 : memref<640x128xf32, #tpu.memory_space<vmem_shared>>) target(%dma_start3A_47 : memref<640x128xf32, #tpu.memory_space<hbm>>) target_semaphore(%run_scoped3A : memref<!tpu.dma_semaphore, #tpu.memory_space<semaphore_mem>>)
      %dma_wait3A = arith.constant 0 : i32
      %dma_wait3A_50 = tpu.memref_slice %arg8[%arg0, %mul3A_45, %dma_wait3A] : memref<2x10240x128xf32, #tpu.memory_space<hbm>> -> memref<1x640x128xf32, #tpu.memory_space<hbm>>
      %dma_wait3A_51 = tpu.memref_squeeze %dma_wait3A_50 : memref<1x640x128xf32, #tpu.memory_space<hbm>> -> memref<640x128xf32, #tpu.memory_space<hbm>>
      %dma_wait3A_52 = arith.constant 0 : i32
      %dma_wait3A_53 = tpu.memref_slice %arg15[%mul3A_43, %dma_wait3A_52] : memref<10240x128xf32, #tpu.memory_space<vmem_shared>> -> memref<640x128xf32, #tpu.memory_space<vmem_shared>>
      tpu.wait_dma2 semaphore(%run_scoped3A : memref<!tpu.dma_semaphore, #tpu.memory_space<semaphore_mem>>) src(%dma_wait3A_53 : memref<640x128xf32, #tpu.memory_space<vmem_shared>>) dst(%dma_wait3A_51 : memref<640x128xf32, #tpu.memory_space<hbm>>)
      tpu.yield
    }) : () -> ()
    return
  }
}

module attributes {stable_mosaic.version = 14 : i64} {
  func.func @_sum2_body(%arg0: i32, %arg1: memref<1000x128xf32, #tpu.memory_space<vmem>>, %arg2: memref<1000x128xf32, #tpu.memory_space<vmem>>, %arg3: memref<1000x128xf32, #tpu.memory_space<vmem>>) attributes {dimension_semantics = [#tpu.dimension_semantics<arbitrary>], iteration_bounds = array<i64: 10>, scalar_prefetch = 0 : i64, scratch_operands = 0 : i64, tpu.core_type = #tpu.core_type<tc>, window_params = [{transform_indices = @transform_0, window_bounds = array<i64: 1000, 128>}, {transform_indices = @transform_1, window_bounds = array<i64: 1000, 128>}, {transform_indices = @transform_2, window_bounds = array<i64: 1000, 128>}]} {
    %get3A = arith.constant 0 : index
    %get3A_0 = arith.constant 0 : index
    %get3A_1 = vector.load %arg1[%get3A, %get3A_0] : memref<1000x128xf32, #tpu.memory_space<vmem>>, vector<1000x128xf32>
    %get3A_2 = arith.constant 0 : index
    %get3A_3 = arith.constant 0 : index
    %get3A_4 = vector.load %arg2[%get3A_2, %get3A_3] : memref<1000x128xf32, #tpu.memory_space<vmem>>, vector<1000x128xf32>
    %add3A = arith.addf %get3A_1, %get3A_4 : vector<1000x128xf32>
    %swap3A = arith.constant 0 : index
    %swap3A_5 = arith.constant 0 : index
    %swap3A_6 = vector.load %arg3[%swap3A, %swap3A_5] : memref<1000x128xf32, #tpu.memory_space<vmem>>, vector<1000x128xf32>
    tpu.vector_store %arg3[%swap3A, %swap3A_5], %add3A {strides = array<i32>} : memref<1000x128xf32, #tpu.memory_space<vmem>>, vector<1000x128xf32>,
    return
  }
  func.func @transform_0(%arg0: i32) -> (i32, i32) {
    %c0_i32 = arith.constant 0 : i32
    %c0_i32_0 = arith.constant 0 : i32
    return %arg0, %c0_i32 : i32, i32
  }
  func.func @transform_1(%arg0: i32) -> (i32, i32) {
    %c0_i32 = arith.constant 0 : i32
    %c0_i32_0 = arith.constant 0 : i32
    return %arg0, %c0_i32 : i32, i32
  }
  func.func @transform_2(%arg0: i32) -> (i32, i32) {
    %c0_i32 = arith.constant 0 : i32
    %c0_i32_0 = arith.constant 0 : i32
    return %arg0, %c0_i32 : i32, i32
  }
}

</mosaic_0001>

<sc_bundles>
// kernel: kernel.4.cloned.1.call-start
scs
__scs_entry_jumppad:
0x0: {  	(pc) =	sbr.rel $0x88, $3  }
0x1: {  	(tag) =	ssettag $0x0;
	lr =	simm.s32 $0x1  }
0x2: {  	[smem:$0x3F9C] =	sst lr;
	_ =	strace $0xD0000000  }
0x3: {  	_ = 	snop  }
0x4: {  	_ = 	snop  }
0x5: {  	_ = 	snop  }
0x6: {  	_ = 	snop  }
0x7: {  	_ = 	snop  }
__scs_overlays_trampoline_lowered:
0x8: {  	[smem:$0x3FAB] =	sst s0  }
0x9: {  	[smem:$0x3FAC] =	sst s1  }
0xa: {  	[smem:$0x3FAD] =	sst s2  }
0xb: {  	[smem:$0x3FAE] =	sst s3  }
0xc: {  	[smem:$0x3FAF] =	sst s4  }
0xd: {  	[smem:$0x3FB0] =	sst s5  }
0xe: {  	[smem:$0x3FB1] =	sst s6  }
0xf: {  	[smem:$0x3FB2] =	sst s7  }
0x10: {  	[smem:$0x3FB3] =	sst s8  }
0x11: {  	[smem:$0x3FB4] =	sst s9;
	s0 =	simm.s32 @!p0 $0x0  }
0x12: {  	s1 =	sld [smem:$0x3F9A];
	s0 =	simm.s32 @p0 $0x1  }
0x13: {  	[smem:$0x3FB5] =	sst s0;
	s0 =	simm.s32 @!p1 $0x0  }
0x14: {  	s2 =	sld [smem:$0x3F99];
	s0 =	simm.s32 @p1 $0x1  }
0x15: {  	[smem:$0x3FB6] =	sst s0;
	s0 =	simm.s32 @!p2 $0x0  }
0x16: {  	s3 =	sld [smem:$0x3FDB];
	s0 =	simm.s32 @p2 $0x1  }
0x17: {  	s4 =	simm.s32 $0x1BF5;
	[smem:$0x3FB8] =	sst s0  }
0x18: {  	s0 =	sld [smem:$0x3F9B];
	_ =	swait.ge [sflag:s4], $0x0  }
0x19: {  	s7 =	sld [smem:$0x3F9C]  }
0x1a: {  	s8 =	sadd.s32 $0xFFFFE003, lr  }
0x1b: {  	s9 =	sadd.s32 $0xFFFFFEF7, lr;
	s5 =	simm.s32 $0xFFFFFFFF;
	p2 =	slt.u32 s8, $0xFFFFF086  }
0x1c: {  	p1 =	slt.u32 s9, $0xF7A;
	s5 =	simm.s32 @!p2 $0x0  }
0x1d: {  	s5 =	simm.s32 @p1 $0x1;
	p0 =	seq.s32 s7, s2  }
0x1e: {  	s7 =	smul.u32 @!p0 $0xF7A, s2;
	p2 =	seq.s32 @!p0 s5, $0x0  }
0x1f: {  	s9 =	smul.u32 $0xF7A, s1;
	s8 =	simm.s32 @!p0 $0x1BF5;
	p2 =	por !p2, p0  }
0x20: {  	[sflag:s8] =	ssyncset.s32 @!p0 $0xFFFFF086;
	s6 =	sadd.s32 @!p0 s3, s7;
	s7 =	simm.s32 @!p0 $0x108  }
0x21: {  	s3 =	sadd.s32 s3, s9;
	s6 =	sadd.s32 @!p0 $0x88, s6;
	s7 =	simm.s32 @p2 $0x1082  }
0x22: {  	[simem:s7], [sflag:s8] =	dma.local @!p0 [hbm:s6], $0xF7A  }
0x23: {  	s9 =	sor.u32 $0xD0000000, s2;
	s6 =	simm.s32 $0x108;
	_ =	swait.ge @!p0 [sflag:s8], $0x0  }
0x24: {  	s3 =	sadd.s32 $0x88, s3;
	s6 =	simm.s32 @!p1 $0x1082;
	[sflag:s4] =	ssyncset.s32 $0xFFFFF086  }
0x25: {  	[simem:s6], [sflag:s4] =	dma.local [hbm:s3], $0xF7A  }
0x26: {  	[smem:$0x3F9C] =	sst s1;
	(tag) =	ssettag s2;
	_ =	strace s9  }
0x27: {  	s1 =	sld [smem:$0x3FAC]  }
0x28: {  	s2 =	sld [smem:$0x3FAD]  }
0x29: {  	s4 =	sld [smem:$0x3FAF]  }
0x2a: {  	p0 =	seq.s32 s5, $0x0;
	s5 =	sld [smem:$0x3FB0]  }
0x2b: {  	s6 =	sld [smem:$0x3FB1]  }
0x2c: {  	s7 =	sld [smem:$0x3FB2]  }
0x2d: {  	s3 =	simm.s32 $0x108;
	s8 =	sld [smem:$0x3FB3]  }
0x2e: {  	s3 =	simm.s32 @!p0 $0x1082;
	s9 =	sld [smem:$0x3FB4]  }
0x2f: {  	lr =	sadd.s32 s0, s3;
	s0 =	sld [smem:$0x3FAB]  }
0x30: {  	s3 =	sld [smem:$0x3FAE]  }
0x31: {  	[smem:$0x3FB7] =	sst s10  }
0x32: {  	s10 =	sld [smem:$0x3FB5];
	_ =	sdelay $0x3  }
0x33: {  	p0 =	seq.s32 s10, $0x1;
	s10 =	sld [smem:$0x3FB7];
	_ =	sdelay $0x3  }
0x34: {  	[smem:$0x3FB7] =	sst s10  }
0x35: {  	s10 =	sld [smem:$0x3FB6];
	_ =	sdelay $0x3  }
0x36: {  	p1 =	seq.s32 s10, $0x1;
	s10 =	sld [smem:$0x3FB7];
	_ =	sdelay $0x3  }
0x37: {  	[smem:$0x3FB7] =	sst s10  }
0x38: {  	s10 =	sld [smem:$0x3FB8]  }
0x39: {  	_ = 	snop;
	(pc) =	sbr.ind lr, $3  }
0x3a: {  	_ = 	snop  }
0x3b: {  	_ = 	snop  }
0x3c: {  	p2 =	seq.s32 s10, $0x1;
	s10 =	sld [smem:$0x3FB7]  }
0x3d: {  	_ =	shalt  }
0x3e: {  	_ =	shalt  }
0x3f: {  	_ =	shalt  }
0x40: {  	_ =	shalt  }
0x41: {  	_ =	shalt  }
0x42: {  	_ =	shalt  }
0x43: {  	_ =	shalt  }
0x44: {  	_ =	shalt  }
0x45: {  	_ =	shalt  }
0x46: {  	_ =	shalt  }
0x47: {  	_ =	shalt  }
0x48: {  	_ =	shalt  }
0x49: {  	_ =	shalt  }
0x4a: {  	_ =	shalt  }
0x4b: {  	_ =	shalt  }
0x4c: {  	_ =	shalt  }
0x4d: {  	_ =	shalt  }
0x4e: {  	_ =	shalt  }
0x4f: {  	_ =	shalt  }
0x50: {  	_ =	shalt  }
0x51: {  	_ =	shalt  }
0x52: {  	_ =	shalt  }
0x53: {  	_ =	shalt  }
0x54: {  	_ =	shalt  }
0x55: {  	_ =	shalt  }
0x56: {  	_ =	shalt  }
0x57: {  	_ =	shalt  }
0x58: {  	_ =	shalt  }
0x59: {  	_ =	shalt  }
0x5a: {  	_ =	shalt  }
0x5b: {  	_ =	shalt  }
0x5c: {  	_ =	shalt  }
0x5d: {  	_ =	shalt  }
0x5e: {  	_ =	shalt  }
0x5f: {  	_ =	shalt  }
0x60: {  	_ =	shalt  }
0x61: {  	_ =	shalt  }
0x62: {  	_ =	shalt  }
0x63: {  	_ =	shalt  }
0x64: {  	_ =	shalt  }
0x65: {  	_ =	shalt  }
0x66: {  	_ =	shalt  }
0x67: {  	_ =	shalt  }
0x68: {  	_ =	shalt  }
0x69: {  	_ =	shalt  }
0x6a: {  	_ =	shalt  }
0x6b: {  	_ =	shalt  }
0x6c: {  	_ =	shalt  }
0x6d: {  	_ =	shalt  }
0x6e: {  	_ =	shalt  }
0x6f: {  	_ =	shalt  }
0x70: {  	_ =	shalt  }
0x71: {  	_ =	shalt  }
0x72: {  	_ =	shalt  }
0x73: {  	_ =	shalt  }
0x74: {  	_ =	shalt  }
0x75: {  	_ =	shalt  }
0x76: {  	_ =	shalt  }
0x77: {  	_ =	shalt  }
0x78: {  	_ =	shalt  }
0x79: {  	_ =	shalt  }
0x7a: {  	_ =	shalt  }
0x7b: {  	_ =	shalt  }
0x7c: {  	_ =	shalt  }
0x7d: {  	_ =	shalt  }
0x7e: {  	_ =	shalt  }
0x7f: {  	_ =	shalt  }
0x80: {  	_ =	shalt  }
0x81: {  	_ =	shalt  }
0x82: {  	_ =	shalt  }
0x83: {  	_ =	shalt  }
0x84: {  	_ =	shalt  }
0x85: {  	_ =	shalt  }
0x86: {  	_ =	shalt  }
0x87: {  	_ =	shalt  }
.Lfunc_end0:
.L_simem_size_0:
called_computation_lowered:
.L_overlay_start_0:
0x88: {  	s2 =	sld [smem:$0x3FD9]  }
0x89: {  	s3 =	sld [smem:$0x3FFE];
	_ =	sdelay $0x1  }
0x8a: {  	s1 =	srdreg.scid  }
0x8b: {  	s0 =	sand.u32 $0x1, s1  }
0x8c: {  	s17 =	sshll.u32 s0, $0xA;
	s2 =	sadd.s32 s3, s2  }
0x8d: {  	s2 =	sadd.s32 s2, s17  }
0x8e: {  	[smem:$0x3FC3] =	sst s2  }
0x8f: {  	_ = 	snop  }
0x90: {  	s2 =	sld [smem:$0x3FC9]  }
0x91: {  	s18 =	sld [smem:$0x3FD0];
	(tm) =	ssettm $0x1  }
0x92: {  	s4 =	sld [smem:$0x3FFB];
	_ =	sdelay $0x3  }
0x93: {  	_ =	strace s4  }
0x94: {  	s4 =	sld [smem:$0x3FFC];
	_ =	sdelay $0x3  }
0x95: {  	_ =	strace s4  }
0x96: {  	s4 =	sld [smem:$0x3FFD];
	_ =	sdelay $0x3  }
0x97: {  	_ =	strace s4  }
0x98: {  	_ =	strace $0x8FFFFFFF  }
0x99: {  	s19 =	sld [smem:$0x3FDB];
	_ =	sdelay $0x1  }
0x9a: {  	s5 =	simm.s32 $_scs_section_size  }
0x9b: {  	s6 =	simm.s32 $_size__tile_overlayer_lowered;
	s7 =	simm.s32 $_tile_overlayer_lowered  }
0x9c: {  	s22 =	simm.s32 $0x1BFF;
	s21 =	sshll.u32 s7, $0x1;
	s4 =	sadd.s32 s5, s19  }
0x9d: {  	s8 =	simm.s32 $0x0;
	s20 =	sshll.u32 s6, $0x1;
	s6 =	sadd.s32 s21, s4  }
0x9e: {  	[timem:s8], [sflag:s22] =	dma.local [hbm:s6], s20  }
0x9f: {  	_ =	swait.ge [sflag:s22], s20  }
0xa0: {  	s5 =	ssub.s32 $0x0, s20;
	[sflag:s22] =	ssyncset.done $0x0  }
0xa1: {  	[sflag:s22] =	ssyncadd.s32 s5;
	_ =	sdelay $0x1  }
0xa2: {  	s23 =	simm.s32 $0x1B8B  }
0xa3: {  	_ =	swait.ge [sflag:s23], $0x1  }
0xa4: {  	[sflag:s23] =	ssyncset.done $0x0  }
0xa5: {  	s25 =	simm.s32 $0x1B8E;
	s24 =	sld [smem:$0x3FFE];
	[sflag:s23] =	ssyncadd.s32 $0xFFFFFFFF  }
0xa6: {  	s26 =	simm.s32 $execute0_lowered;
	[smem:$0x3FD2] =	sst s25  }
0xa7: {  	s6 =	sshll.u32 s26, $0x1;
	_ =	strace $0x80000046;
	[dreg:$0x1] =	wrdreg $0xFFFFFFFF  }
0xa8: {  	s28 =	simm.s32 $_size_execute0_lowered;
	s4 =	sadd.s32 s4, s6;
	[dreg:$0x0] =	wrdreg $0x0  }
0xa9: {  	s6 =	sshll.u32 s28, $0x1;
	[dreg:$0x2] =	wrdreg s4  }
0xaa: {  	[dreg:$0x3] =	wrdreg s6  }
0xab: {  	[dreg:$0x4] =	wrdreg $0xC0  }
0xac: {  	_ =	task [dreg:s8], $0x5FFFF  }
0xad: {  	[dreg:$0x1] =	wrdreg $0xFFFFFFFF  }
0xae: {  	[dreg:$0x0] =	wrdreg $0x60  }
0xaf: {  	[dreg:$0x2] =	wrdreg s2  }
0xb0: {  	[dreg:$0x3] =	wrdreg s18  }
0xb1: {  	[dreg:$0x4] =	wrdreg s24  }
0xb2: {  	[dreg:$0x5] =	wrdreg $0x42800  }
0xb3: {  	[dreg:$0x6] =	wrdreg $0x9  }
0xb4: {  	_ =	task.clear_ibuf [dreg:s8], $0x7FFFF;
	_ =	strace $0x90000046  }
0xb5: {  	s29 =	simm.s32 $0x9;
	_ =	strace $0x80000048  }
0xb6: {  	_ =	swait.ge [sflag:s29], $0x1  }
0xb7: {  	[sflag:s29] =	ssyncadd.s32 $0xFFFFFFFF  }
0xb8: {  	_ =	strace $0x90000048  }
0xb9: {  	_ =	sfence  }
0xba: {  	s30 =	sld [smem:$0x0];
	_ =	sdelay $0x2  }
0xbb: {  	s31 =	sshll.u32 s1, $0xD;
	s1 =	sshrl.u32 s1, $0x2  }
0xbc: {  	s3 =	sand.u32 $0x4000, s31;
	s1 =	sadd.s32 s1, s30  }
0xbd: {  	s0 =	sor.u32 s3, s0;
	s1 =	sshll.u32 s1, $0x11  }
0xbe: {  	s0 =	sor.u32 s1, s0  }
0xbf: {  	s0 =	sadd.s32 $0x8F2B, s0  }
0xc0: {  	[sflag:s0] =	ssyncadd.remote.s32 $0x1  }
0xc1: {  	_ =	sfence.sel $0xFFFF  }
0xc2: {  	[dreg:$0x0] =	wrdreg $0xFFFFFFFF;
	(pc) =	sbr.abs _section_cstart, $3  }
0xc3: {  	[dreg:$0x1] =	wrdreg $0xFFFFFFFF  }
0xc4: {  	_ =	task.clear_ibuf [dreg:s8], $0x2FFFF;
	_ =	strace $0x9FFFFFFF  }
0xc5: {  	(tm) =	ssettm $0x7FFFFFFF  }
tec
execute0_lowered:
.L_overlay_start_1:
0x0: {  	(tag) =	ssettag $0x1  }
0x1: {  	s1 =	rddreg [dreg:$0x0]  }
0x2: {  	s2 =	rddreg [dreg:$0x1]  }
0x3: {  	s10 =	rddreg [dreg:$0x2]  }
0x4: {  	s3 =	rddreg [dreg:$0x3]  }
0x5: {  	s4 =	srdreg.scid;
	s0 =	rddreg [dreg:$0x4]  }
0x6: {  	s5 =	simm.s32 $0x0;
	s18 =	simm.s32 $0x200;
	s19 =	simm.s32 $0x2  }
0x7: {  	s20 =	simm.s32 $0x4200;
	s21 =	simm.s32 $0x80;
	s22 =	simm.s32 $0x100  }
0x8: {  	s23 =	simm.s32 $0x180;
	s24 =	simm.s32 $0x1;
	s11 =	sand.u32 $0x1, s4  }
0x9: {  	s4 =	stileid.u32;
	[smem:$0x7FF] =	sst s5;
	s6 =	sadd.s32 $0x13E00, s10  }
0xa: {  	s7 =	sadd.s32 $0x200, s10;
	s8 =	sadd.s32 $0xA000, s10;
	s9 =	smul.u32 $0x140000, s11  }
0xb: {  	s12 =	smul.u32 $0x14000, s4;
	_ =	strace $0x80000047;
	s14 =	ssub.s32 $0x2, s11  }
0xc: {  	s13 =	smul.u32 $0x50000, s4;
	s31 =	sshll.u32 s4, $0x1;
	s29 =	sshrl.u32 s14, $0x1  }
0xd: {  	s15 =	sor.u32 s11, s31;
	s12 =	sadd.s32 s12, s9;
	s9 =	sadd.s32 $0x1DC00, s10  }
0xe: {  	s30 =	sshrl.u32 s13, $0x2;
	s17 =	ssub.s32 s14, s29;
	s12 =	sshrl.u32 s12, $0x3  }
0xf: {  	s15 =	smul.u32 $0x4F, s15;
	s16 =	sadd.s32 s12, s10;
	s10 =	sadd.s32 s30, s3  }
0x10: {  	s17 =	smax.u32 s17, $0x1;
	s11 =	sadd.s32 $0x4000, s10;
	s12 =	sadd.s32 $0x8000, s10  }
0x11: {  	v0 =	vimm.f32 $0.0e+00;
	s13 =	sadd.s32 $0xC000, s10;
	s14 =	sadd.s32 $0x10000, s10;
	s16 =	sadd.s32 $0x1DE00, s16  }
.LBB2_1:
0x12: {  	s25 =	simm.s32 $0x0;
	s26 =	simm.s32 $0x200  }
.LBB2_2:
0x13: {  	p0 =	sne.s32 s26, $0xFE00;
	[tilespmem:s25+$0x270] =	vst v0  }
0x14: {  	[tilespmem:s25+$0x200] =	vst v0  }
0x15: {  	[tilespmem:s25+$0x210] =	vst v0  }
.Ltmp0:
0x16: {  	[tilespmem:s25+$0x220] =	vst v0;
	(pc) =	sbr.rel @p0 .LBB2_2-.Ltmp0, $4  }
0x17: {  	[tilespmem:s25+$0x230] =	vst v0  }
0x18: {  	[tilespmem:s25+$0x240] =	vst v0  }
0x19: {  	[tilespmem:s25+$0x250] =	vst v0  }
0x1a: {  	[tilespmem:s25+$0x260] =	vst v0;
	s25 =	sshra.s32 s26, $0x2;
	s26 =	sadd.s32 $0x200, s26  }
0x1b: {  	[tilespmem:s25+$0x270] =	vst v0  }
0x1c: {  	[tilespmem:s25+$0x200] =	vst v0  }
0x1d: {  	[tilespmem:s25+$0x210] =	vst v0  }
0x1e: {  	[tilespmem:s25+$0x220] =	vst v0  }
0x1f: {  	[tilespmem:s25+$0x230] =	vst v0  }
0x20: {  	[tilespmem:s25+$0x240] =	vst v0  }
0x21: {  	[tilespmem:s25+$0x250] =	vst v0  }
0x22: {  	[tilespmem:s25+$0x260] =	vst v0  }
0x23: {  	[spmem:s10] =	stream.linear.scatter [tilespmem:s18], [sflag:$0x2], $0x4000, $0x38;
	[tilespmem:$0x18280] =	vst v63  }
0x24: {  	_ =	swait.ge [sflag:s19], $0x4000  }
0x25: {  	[sflag:s19] =	ssyncset.done $0x0  }
0x26: {  	[sflag:s19] =	ssyncadd.s32 $0xFFFFC000  }
0x27: {  	[spmem:s11] =	stream.linear.scatter [tilespmem:s18], [sflag:$0x2], $0x4000, $0x38;
	[tilespmem:$0x18280] =	vst v63  }
0x28: {  	_ =	swait.ge [sflag:s19], $0x4000  }
0x29: {  	[sflag:s19] =	ssyncset.done $0x0  }
0x2a: {  	[sflag:s19] =	ssyncadd.s32 $0xFFFFC000  }
0x2b: {  	[spmem:s12] =	stream.linear.scatter [tilespmem:s18], [sflag:$0x2], $0x4000, $0x38;
	[tilespmem:$0x18280] =	vst v63  }
0x2c: {  	_ =	swait.ge [sflag:s19], $0x4000  }
0x2d: {  	[sflag:s19] =	ssyncset.done $0x0  }
0x2e: {  	[sflag:s19] =	ssyncadd.s32 $0xFFFFC000  }
0x2f: {  	[spmem:s13] =	stream.linear.scatter [tilespmem:s18], [sflag:$0x2], $0x4000, $0x38;
	[tilespmem:$0x18280] =	vst v63  }
0x30: {  	_ =	swait.ge [sflag:s19], $0x4000  }
0x31: {  	[sflag:s19] =	ssyncset.done $0x0  }
0x32: {  	[sflag:s19] =	ssyncadd.s32 $0xFFFFC000  }
0x33: {  	[spmem:s14] =	stream.linear.scatter [tilespmem:s18], [sflag:$0x2], $0x4000, $0x38;
	[tilespmem:$0x18280] =	vst v63  }
0x34: {  	_ =	swait.ge [sflag:s19], $0x4000  }
0x35: {  	[sflag:s19] =	ssyncset.done $0x0  }
0x36: {  	[sflag:s19] =	ssyncadd.s32 $0xFFFFC000  }
0x37: {  	s25 =	simm.s32 $0x0;
	[bflag:$0x0] =	sbarrier.arrive $0xFFFF  }
0x38: {  	[tilespmem:s20], [sflag:$0x2] =	stream.linear.gather [hbm4b:s9+s25], $0x80, $0x38;
	[tilespmem:$0x18280] =	vst v63  }
0x39: {  	_ =	swait.ge [sflag:s19], $0x80  }
0x3a: {  	[sflag:s19] =	ssyncset.done $0x0  }
0x3b: {  	[sflag:s19] =	ssyncadd.s32 $0xFFFFFF80  }
0x3c: {  	v1 =	vld [tilespmem:$0x4200];
	_ =	sdelay $0x4  }
0x3d: {  	v1 =	vmax.f32 v1, $0.0e+00  }
0x3e: {  	v1 =	vadd.f32 $9.999999740e-05, v1;
	_ =	sdelay $0x1  }
0x3f: {  	s26 =	simm.s32 $0x0;
	v1 =	vsub.f32 $0.0e+00, v1  }
.LBB2_4:
0x40: {  	s28 =	sadd.s32 s15, s26  }
0x41: {  	s28 =	sshll.u32 s28, $0x4  }
0x42: {  	s29 =	sadd.s32 s2, s28  }
0x43: {  	[tilespmem:s25], [sflag:$0x2] =	stream.linear.gather [hbm4b:s29+s25], $0x80, $0x38;
	[tilespmem:$0x18280] =	vst v63  }
0x44: {  	_ =	swait.ge [sflag:s19], $0x80  }
0x45: {  	[sflag:s19] =	ssyncset.done $0x0  }
0x46: {  	s30 =	sadd.s32 s6, s28;
	[sflag:s19] =	ssyncadd.s32 $0xFFFFFF80  }
0x47: {  	[tilespmem:s21], [sflag:$0x2] =	stream.linear.gather [hbm4b:s30+s25], $0x80, $0x38;
	[tilespmem:$0x18280] =	vst v63  }
0x48: {  	_ =	swait.ge [sflag:s19], $0x80  }
0x49: {  	[sflag:s19] =	ssyncset.done $0x0  }
0x4a: {  	s31 =	sadd.s32 s7, s28;
	[sflag:s19] =	ssyncadd.s32 $0xFFFFFF80  }
0x4b: {  	[tilespmem:s22], [sflag:$0x2] =	stream.linear.gather [hbm4b:s31+s25], $0x80, $0x38;
	[tilespmem:$0x18280] =	vst v63  }
0x4c: {  	_ =	swait.ge [sflag:s19], $0x80  }
0x4d: {  	[sflag:s19] =	ssyncset.done $0x0  }
0x4e: {  	s28 =	sadd.s32 s8, s28;
	[sflag:s19] =	ssyncadd.s32 $0xFFFFFF80  }
0x4f: {  	[tilespmem:s23], [sflag:$0x2] =	stream.linear.gather [hbm4b:s28+s25], $0x80, $0x38;
	[tilespmem:$0x18280] =	vst v63  }
0x50: {  	_ =	swait.ge [sflag:s19], $0x80  }
0x51: {  	[sflag:s19] =	ssyncset.done $0x0  }
0x52: {  	[sflag:s19] =	ssyncadd.s32 $0xFFFFFF80  }
0x53: {  	[tilespmem:s18], [sflag:$0x1] =	stream.indirect.gather [hbm4b:s1+s21], $0x80, s25, s21, $0xb8;
	[tilespmem:$0x18280] =	vst v63  }
0x54: {  	_ =	swait.ge [sflag:s24], $0x4000  }
0x55: {  	[sflag:s24] =	ssyncset.done $0x0  }
0x56: {  	s28 =	simm.s32 $0x0;
	[sflag:s24] =	ssyncadd.s32 $0xFFFFC000  }
.LBB2_5:
0x57: {  	s29 =	sshll.u32 s28, $0x4  }
0x58: {  	v2 =	vld [tilespmem:s29+$0x100];
	_ =	sdelay $0x4  }
0x59: {  	v2 =	vmul.f32 v2, v1;
	_ =	sdelay $0x1  }
0x5a: {  	v2 =	vmul.f32 $1.442695020e+00, v2;
	_ =	sdelay $0x1  }
0x5b: {  	(erf) = vpow2.f32 v2;
	_ =	sdelay $0x4  }
0x5c: {  	v2 =	vld [tilespmem:s29+$0x180];
	_ =	sdelay $0x1  }
0x5d: {  	s31 =	sshll.u32 s28, $0xB  }
0x5e: {  	s29 =	sand.u32 $0x3FFFF800, s31  }
0x5f: {  	v4 =	vld [tilespmem:s29+$0x200];
	v3 =	vpop (erf)  }
0x60: {  	v5 =	vld [tilespmem:s29+$0x220];
	v2 =	vmul.f32 v3, v2  }
0x61: {  	v3 =	vld [tilespmem:s29+$0x210]  }
0x62: {  	v8 =	vld [tilespmem:s29+$0x240];
	v6 =	vbroadcast v2, $0x0  }
0x63: {  	v7 =	vld [tilespmem:s29+$0x230]  }
0x64: {  	v10 =	vld [tilespmem:s29+$0x260];
	v4 =	vmul.f32 v6, v4  }
0x65: {  	v9 =	vld [tilespmem:s29+$0x250];
	v23 =	vmul.f32 v6, v5  }
0x66: {  	v25 =	vld [tilespmem:s29+$0x280];
	v3 =	vmul.f32 v6, v3;
	[tilespmem:s29+$0x200] =	vst v4  }
0x67: {  	v24 =	vld [tilespmem:s29+$0x270];
	v26 =	vmul.f32 v8, v6;
	[tilespmem:s29+$0x220] =	vst v23  }
0x68: {  	v28 =	vld [tilespmem:s29+$0x2A0];
	[tilespmem:s29+$0x210] =	vst v3;
	v3 =	vmul.f32 v7, v6  }
0x69: {  	v27 =	vld [tilespmem:s29+$0x290];
	v30 =	vbroadcast v2, $0x1;
	v29 =	vmul.f32 v10, v6;
	[tilespmem:s29+$0x240] =	vst v26  }
0x6a: {  	v31 =	vld [tilespmem:s29+$0x2C0];
	[tilespmem:s29+$0x230] =	vst v3;
	v3 =	vmul.f32 v9, v6  }
0x6b: {  	v11 =	vld [tilespmem:s29+$0x2B0];
	v32 =	vmul.f32 v25, v30;
	[tilespmem:s29+$0x260] =	vst v29  }
0x6c: {  	v34 =	vld [tilespmem:s29+$0x2E0];
	[tilespmem:s29+$0x250] =	vst v3;
	v3 =	vmul.f32 v24, v6  }
0x6d: {  	v33 =	vld [tilespmem:s29+$0x2D0];
	v35 =	vmul.f32 v28, v30;
	[tilespmem:s29+$0x280] =	vst v32  }
0x6e: {  	v37 =	vld [tilespmem:s29+$0x300];
	[tilespmem:s29+$0x270] =	vst v3;
	v3 =	vmul.f32 v27, v30  }
0x6f: {  	v36 =	vld [tilespmem:s29+$0x2F0];
	v38 =	vmul.f32 v31, v30;
	[tilespmem:s29+$0x2A0] =	vst v35  }
0x70: {  	v40 =	vld [tilespmem:s29+$0x320];
	[tilespmem:s29+$0x290] =	vst v3;
	v3 =	vmul.f32 v11, v30  }
0x71: {  	v39 =	vld [tilespmem:s29+$0x310];
	v42 =	vbroadcast v2, $0x2;
	v41 =	vmul.f32 v34, v30;
	[tilespmem:s29+$0x2C0] =	vst v38  }
0x72: {  	v44 =	vld [tilespmem:s29+$0x340];
	[tilespmem:s29+$0x2B0] =	vst v3;
	v3 =	vmul.f32 v33, v30  }
0x73: {  	v43 =	vld [tilespmem:s29+$0x330];
	v45 =	vmul.f32 v37, v42;
	[tilespmem:s29+$0x2E0] =	vst v41  }
0x74: {  	v47 =	vld [tilespmem:s29+$0x360];
	[tilespmem:s29+$0x2D0] =	vst v3;
	v3 =	vmul.f32 v36, v30  }
0x75: {  	v46 =	vld [tilespmem:s29+$0x350];
	v48 =	vmul.f32 v40, v42;
	[tilespmem:s29+$0x300] =	vst v45  }
0x76: {  	v50 =	vld [tilespmem:s29+$0x380];
	[tilespmem:s29+$0x2F0] =	vst v3;
	v3 =	vmul.f32 v39, v42  }
0x77: {  	v49 =	vld [tilespmem:s29+$0x370];
	v51 =	vmul.f32 v44, v42;
	[tilespmem:s29+$0x320] =	vst v48  }
0x78: {  	v53 =	vld [tilespmem:s29+$0x3A0];
	[tilespmem:s29+$0x310] =	vst v3;
	v3 =	vmul.f32 v43, v42  }
0x79: {  	v52 =	vld [tilespmem:s29+$0x390];
	v55 =	vbroadcast v2, $0x3;
	v54 =	vmul.f32 v47, v42;
	[tilespmem:s29+$0x340] =	vst v51  }
0x7a: {  	v57 =	vld [tilespmem:s29+$0x3C0];
	[tilespmem:s29+$0x330] =	vst v3;
	v3 =	vmul.f32 v46, v42  }
0x7b: {  	v56 =	vld [tilespmem:s29+$0x3B0];
	v58 =	vmul.f32 v50, v55;
	[tilespmem:s29+$0x360] =	vst v54  }
0x7c: {  	v60 =	vld [tilespmem:s29+$0x3E0];
	[tilespmem:s29+$0x350] =	vst v3;
	v3 =	vmul.f32 v49, v42  }
0x7d: {  	v59 =	vld [tilespmem:s29+$0x3D0];
	v61 =	vmul.f32 v53, v55;
	[tilespmem:s29+$0x380] =	vst v58  }
0x7e: {  	v63 =	vld [tilespmem:s29+$0x400];
	[tilespmem:s29+$0x370] =	vst v3;
	v3 =	vmul.f32 v52, v55  }
0x7f: {  	v62 =	vld [tilespmem:s29+$0x3F0];
	v12 =	vmul.f32 v57, v55;
	[tilespmem:s29+$0x3A0] =	vst v61  }
0x80: {  	v14 =	vld [tilespmem:s29+$0x420];
	[tilespmem:s29+$0x390] =	vst v3;
	v3 =	vmul.f32 v56, v55  }
0x81: {  	v13 =	vld [tilespmem:s29+$0x410];
	v16 =	vbroadcast v2, $0x4;
	v15 =	vmul.f32 v60, v55;
	[tilespmem:s29+$0x3C0] =	vst v12  }
0x82: {  	v18 =	vld [tilespmem:s29+$0x440];
	[tilespmem:s29+$0x3B0] =	vst v3;
	v3 =	vmul.f32 v59, v55  }
0x83: {  	v17 =	vld [tilespmem:s29+$0x430];
	v19 =	vmul.f32 v63, v16;
	[tilespmem:s29+$0x3E0] =	vst v15  }
0x84: {  	v21 =	vld [tilespmem:s29+$0x460];
	[tilespmem:s29+$0x3D0] =	vst v3;
	v3 =	vmul.f32 v62, v55  }
0x85: {  	v20 =	vld [tilespmem:s29+$0x450];
	v22 =	vmul.f32 v14, v16;
	[tilespmem:s29+$0x400] =	vst v19  }
0x86: {  	v31 =	vld [tilespmem:s29+$0x4C0];
	[tilespmem:s29+$0x3F0] =	vst v3;
	v3 =	vmul.f32 v13, v16  }
0x87: {  	v25 =	vmul.f32 v18, v16;
	v23 =	vld [tilespmem:s29+$0x470];
	[tilespmem:s29+$0x420] =	vst v22  }
0x88: {  	v34 =	vld [tilespmem:s29+$0x4E0];
	[tilespmem:s29+$0x410] =	vst v3;
	v3 =	vmul.f32 v17, v16  }
0x89: {  	v28 =	vmul.f32 v21, v16;
	v26 =	vld [tilespmem:s29+$0x490];
	[tilespmem:s29+$0x440] =	vst v25;
	v29 =	vbroadcast v2, $0x5  }
0x8a: {  	v24 =	vld [tilespmem:s29+$0x480];
	[tilespmem:s29+$0x430] =	vst v3;
	v3 =	vmul.f32 v20, v16  }
0x8b: {  	[tilespmem:s29+$0x460] =	vst v28;
	v38 =	vmul.f32 v31, v29;
	v30 =	vld [tilespmem:s29+$0x4B0]  }
0x8c: {  	v27 =	vld [tilespmem:s29+$0x4A0];
	[tilespmem:s29+$0x450] =	vst v3;
	v3 =	vmul.f32 v23, v16  }
0x8d: {  	v41 =	vmul.f32 v34, v29;
	[tilespmem:s29+$0x4C0] =	vst v38;
	v33 =	vld [tilespmem:s29+$0x4D0]  }
0x8e: {  	v37 =	vld [tilespmem:s29+$0x500];
	[tilespmem:s29+$0x470] =	vst v3;
	v3 =	vmul.f32 v26, v29  }
0x8f: {  	[tilespmem:s29+$0x4E0] =	vst v41;
	v32 =	vmul.f32 v24, v29;
	v36 =	vld [tilespmem:s29+$0x4F0]  }
0x90: {  	v40 =	vld [tilespmem:s29+$0x520];
	[tilespmem:s29+$0x490] =	vst v3;
	v3 =	vmul.f32 v30, v29  }
0x91: {  	[tilespmem:s29+$0x480] =	vst v32;
	v35 =	vmul.f32 v27, v29;
	v39 =	vld [tilespmem:s29+$0x510];
	v42 =	vbroadcast v2, $0x6  }
0x92: {  	v44 =	vld [tilespmem:s29+$0x540];
	[tilespmem:s29+$0x4B0] =	vst v3;
	v3 =	vmul.f32 v33, v29  }
0x93: {  	[tilespmem:s29+$0x4A0] =	vst v35;
	v43 =	vld [tilespmem:s29+$0x530];
	v45 =	vmul.f32 v37, v42  }
0x94: {  	v47 =	vld [tilespmem:s29+$0x560];
	[tilespmem:s29+$0x4D0] =	vst v3;
	v3 =	vmul.f32 v36, v29  }
0x95: {  	v46 =	vld [tilespmem:s29+$0x550];
	v48 =	vmul.f32 v40, v42;
	[tilespmem:s29+$0x500] =	vst v45  }
0x96: {  	v50 =	vld [tilespmem:s29+$0x580];
	[tilespmem:s29+$0x4F0] =	vst v3;
	v3 =	vmul.f32 v39, v42  }
0x97: {  	v49 =	vld [tilespmem:s29+$0x570];
	v51 =	vmul.f32 v44, v42;
	[tilespmem:s29+$0x520] =	vst v48  }
0x98: {  	v53 =	vld [tilespmem:s29+$0x5A0];
	[tilespmem:s29+$0x510] =	vst v3;
	v3 =	vmul.f32 v43, v42  }
0x99: {  	v52 =	vld [tilespmem:s29+$0x590];
	v54 =	vmul.f32 v47, v42;
	[tilespmem:s29+$0x540] =	vst v51;
	v55 =	vbroadcast v2, $0x7  }
0x9a: {  	v57 =	vld [tilespmem:s29+$0x5C0];
	[tilespmem:s29+$0x530] =	vst v3;
	v3 =	vmul.f32 v46, v42  }
0x9b: {  	v56 =	vld [tilespmem:s29+$0x5B0];
	[tilespmem:s29+$0x560] =	vst v54;
	v58 =	vmul.f32 v50, v55  }
0x9c: {  	v60 =	vld [tilespmem:s29+$0x5E0];
	[tilespmem:s29+$0x550] =	vst v3;
	v3 =	vmul.f32 v49, v42  }
0x9d: {  	v59 =	vld [tilespmem:s29+$0x5D0];
	v61 =	vmul.f32 v53, v55;
	[tilespmem:s29+$0x580] =	vst v58  }
0x9e: {  	v63 =	vld [tilespmem:s29+$0x600];
	[tilespmem:s29+$0x570] =	vst v3;
	v3 =	vmul.f32 v52, v55  }
0x9f: {  	v62 =	vld [tilespmem:s29+$0x5F0];
	v12 =	vmul.f32 v57, v55;
	[tilespmem:s29+$0x5A0] =	vst v61  }
0xa0: {  	v14 =	vld [tilespmem:s29+$0x620];
	[tilespmem:s29+$0x590] =	vst v3;
	v3 =	vmul.f32 v56, v55  }
0xa1: {  	v13 =	vld [tilespmem:s29+$0x610];
	v15 =	vmul.f32 v60, v55;
	[tilespmem:s29+$0x5C0] =	vst v12;
	v16 =	vbroadcast v2, $0x8  }
0xa2: {  	v18 =	vld [tilespmem:s29+$0x640];
	[tilespmem:s29+$0x5B0] =	vst v3;
	v3 =	vmul.f32 v59, v55  }
0xa3: {  	v17 =	vld [tilespmem:s29+$0x630];
	[tilespmem:s29+$0x5E0] =	vst v15;
	v19 =	vmul.f32 v63, v16  }
0xa4: {  	v21 =	vld [tilespmem:s29+$0x660];
	[tilespmem:s29+$0x5D0] =	vst v3;
	v3 =	vmul.f32 v62, v55  }
0xa5: {  	v20 =	vld [tilespmem:s29+$0x650];
	v22 =	vmul.f32 v14, v16;
	[tilespmem:s29+$0x600] =	vst v19  }
0xa6: {  	v24 =	vld [tilespmem:s29+$0x680];
	[tilespmem:s29+$0x5F0] =	vst v3;
	v3 =	vmul.f32 v13, v16  }
0xa7: {  	v23 =	vld [tilespmem:s29+$0x670];
	v25 =	vmul.f32 v18, v16;
	[tilespmem:s29+$0x620] =	vst v22  }
0xa8: {  	v27 =	vld [tilespmem:s29+$0x6A0];
	[tilespmem:s29+$0x610] =	vst v3;
	v3 =	vmul.f32 v17, v16  }
0xa9: {  	v26 =	vld [tilespmem:s29+$0x690];
	v28 =	vmul.f32 v21, v16;
	[tilespmem:s29+$0x640] =	vst v25;
	v29 =	vbroadcast v2, $0x9  }
0xaa: {  	v31 =	vld [tilespmem:s29+$0x6C0];
	[tilespmem:s29+$0x630] =	vst v3;
	v3 =	vmul.f32 v20, v16  }
0xab: {  	v30 =	vld [tilespmem:s29+$0x6B0];
	[tilespmem:s29+$0x660] =	vst v28;
	v32 =	vmul.f32 v24, v29  }
0xac: {  	v34 =	vld [tilespmem:s29+$0x6E0];
	[tilespmem:s29+$0x650] =	vst v3;
	v3 =	vmul.f32 v23, v16  }
0xad: {  	v33 =	vld [tilespmem:s29+$0x6D0];
	v35 =	vmul.f32 v27, v29;
	[tilespmem:s29+$0x680] =	vst v32  }
0xae: {  	v37 =	vld [tilespmem:s29+$0x700];
	[tilespmem:s29+$0x670] =	vst v3;
	v3 =	vmul.f32 v26, v29  }
0xaf: {  	v36 =	vld [tilespmem:s29+$0x6F0];
	v38 =	vmul.f32 v31, v29;
	[tilespmem:s29+$0x6A0] =	vst v35  }
0xb0: {  	v40 =	vld [tilespmem:s29+$0x720];
	[tilespmem:s29+$0x690] =	vst v3;
	v3 =	vmul.f32 v30, v29  }
0xb1: {  	v39 =	vld [tilespmem:s29+$0x710];
	v41 =	vmul.f32 v34, v29;
	[tilespmem:s29+$0x6C0] =	vst v38;
	v42 =	vbroadcast v2, $0xA  }
0xb2: {  	v44 =	vld [tilespmem:s29+$0x740];
	[tilespmem:s29+$0x6B0] =	vst v3;
	v3 =	vmul.f32 v33, v29  }
0xb3: {  	v43 =	vld [tilespmem:s29+$0x730];
	[tilespmem:s29+$0x6E0] =	vst v41;
	v45 =	vmul.f32 v37, v42  }
0xb4: {  	v47 =	vld [tilespmem:s29+$0x760];
	[tilespmem:s29+$0x6D0] =	vst v3;
	v3 =	vmul.f32 v36, v29  }
0xb5: {  	v46 =	vld [tilespmem:s29+$0x750];
	v48 =	vmul.f32 v40, v42;
	[tilespmem:s29+$0x700] =	vst v45  }
0xb6: {  	v50 =	vld [tilespmem:s29+$0x780];
	[tilespmem:s29+$0x6F0] =	vst v3;
	v3 =	vmul.f32 v39, v42  }
0xb7: {  	v49 =	vld [tilespmem:s29+$0x770];
	v51 =	vmul.f32 v44, v42;
	[tilespmem:s29+$0x720] =	vst v48  }
0xb8: {  	v53 =	vld [tilespmem:s29+$0x7A0];
	[tilespmem:s29+$0x710] =	vst v3;
	v3 =	vmul.f32 v43, v42  }
0xb9: {  	v52 =	vld [tilespmem:s29+$0x790];
	v54 =	vmul.f32 v47, v42;
	[tilespmem:s29+$0x740] =	vst v51;
	v55 =	vbroadcast v2, $0xB  }
0xba: {  	v57 =	vld [tilespmem:s29+$0x7C0];
	[tilespmem:s29+$0x730] =	vst v3;
	v3 =	vmul.f32 v46, v42  }
0xbb: {  	v56 =	vld [tilespmem:s29+$0x7B0];
	[tilespmem:s29+$0x760] =	vst v54;
	v58 =	vmul.f32 v50, v55  }
0xbc: {  	v60 =	vld [tilespmem:s29+$0x7E0];
	[tilespmem:s29+$0x750] =	vst v3;
	v3 =	vmul.f32 v49, v42  }
0xbd: {  	v59 =	vld [tilespmem:s29+$0x7D0];
	v61 =	vmul.f32 v53, v55;
	[tilespmem:s29+$0x780] =	vst v58  }
0xbe: {  	v63 =	vld [tilespmem:s29+$0x800];
	[tilespmem:s29+$0x770] =	vst v3;
	v3 =	vmul.f32 v52, v55  }
0xbf: {  	v62 =	vld [tilespmem:s29+$0x7F0];
	v12 =	vmul.f32 v57, v55;
	[tilespmem:s29+$0x7A0] =	vst v61  }
0xc0: {  	v14 =	vld [tilespmem:s29+$0x820];
	[tilespmem:s29+$0x790] =	vst v3;
	v3 =	vmul.f32 v56, v55  }
0xc1: {  	v13 =	vld [tilespmem:s29+$0x810];
	v15 =	vmul.f32 v60, v55;
	[tilespmem:s29+$0x7C0] =	vst v12;
	v16 =	vbroadcast v2, $0xC  }
0xc2: {  	v18 =	vld [tilespmem:s29+$0x840];
	[tilespmem:s29+$0x7B0] =	vst v3;
	v3 =	vmul.f32 v59, v55  }
0xc3: {  	v17 =	vld [tilespmem:s29+$0x830];
	[tilespmem:s29+$0x7E0] =	vst v15;
	v19 =	vmul.f32 v63, v16  }
0xc4: {  	v21 =	vld [tilespmem:s29+$0x860];
	[tilespmem:s29+$0x7D0] =	vst v3;
	v3 =	vmul.f32 v62, v55  }
0xc5: {  	v20 =	vld [tilespmem:s29+$0x850];
	v22 =	vmul.f32 v14, v16;
	[tilespmem:s29+$0x800] =	vst v19  }
0xc6: {  	v24 =	vld [tilespmem:s29+$0x880];
	[tilespmem:s29+$0x7F0] =	vst v3;
	v3 =	vmul.f32 v13, v16  }
0xc7: {  	v23 =	vld [tilespmem:s29+$0x870];
	v25 =	vmul.f32 v18, v16;
	[tilespmem:s29+$0x820] =	vst v22  }
0xc8: {  	v27 =	vld [tilespmem:s29+$0x8A0];
	[tilespmem:s29+$0x810] =	vst v3;
	v3 =	vmul.f32 v17, v16  }
0xc9: {  	v26 =	vld [tilespmem:s29+$0x890];
	v28 =	vmul.f32 v21, v16;
	[tilespmem:s29+$0x840] =	vst v25;
	v29 =	vbroadcast v2, $0xD  }
0xca: {  	v31 =	vld [tilespmem:s29+$0x8C0];
	[tilespmem:s29+$0x830] =	vst v3;
	v3 =	vmul.f32 v20, v16  }
0xcb: {  	v30 =	vld [tilespmem:s29+$0x8B0];
	[tilespmem:s29+$0x860] =	vst v28;
	v32 =	vmul.f32 v24, v29  }
0xcc: {  	v34 =	vld [tilespmem:s29+$0x8E0];
	[tilespmem:s29+$0x850] =	vst v3;
	v3 =	vmul.f32 v23, v16  }
0xcd: {  	v33 =	vld [tilespmem:s29+$0x8D0];
	v35 =	vmul.f32 v27, v29;
	[tilespmem:s29+$0x880] =	vst v32  }
0xce: {  	v37 =	vld [tilespmem:s29+$0x900];
	[tilespmem:s29+$0x870] =	vst v3;
	v3 =	vmul.f32 v26, v29  }
0xcf: {  	v36 =	vld [tilespmem:s29+$0x8F0];
	v38 =	vmul.f32 v31, v29;
	[tilespmem:s29+$0x8A0] =	vst v35  }
0xd0: {  	v40 =	vld [tilespmem:s29+$0x920];
	[tilespmem:s29+$0x890] =	vst v3;
	v3 =	vmul.f32 v30, v29  }
0xd1: {  	v39 =	vld [tilespmem:s29+$0x910];
	v41 =	vmul.f32 v34, v29;
	[tilespmem:s29+$0x8C0] =	vst v38;
	v42 =	vbroadcast v2, $0xE  }
0xd2: {  	v44 =	vld [tilespmem:s29+$0x940];
	[tilespmem:s29+$0x8B0] =	vst v3;
	v3 =	vmul.f32 v33, v29  }
0xd3: {  	v43 =	vld [tilespmem:s29+$0x930];
	[tilespmem:s29+$0x8E0] =	vst v41;
	v45 =	vmul.f32 v37, v42  }
0xd4: {  	v47 =	vld [tilespmem:s29+$0x960];
	[tilespmem:s29+$0x8D0] =	vst v3;
	v3 =	vmul.f32 v36, v29  }
0xd5: {  	v46 =	vld [tilespmem:s29+$0x950];
	v48 =	vmul.f32 v40, v42;
	[tilespmem:s29+$0x900] =	vst v45  }
0xd6: {  	v50 =	vld [tilespmem:s29+$0x980];
	[tilespmem:s29+$0x8F0] =	vst v3;
	v3 =	vmul.f32 v39, v42  }
0xd7: {  	v49 =	vld [tilespmem:s29+$0x970];
	v51 =	vmul.f32 v44, v42;
	[tilespmem:s29+$0x920] =	vst v48  }
0xd8: {  	v53 =	vld [tilespmem:s29+$0x9A0];
	[tilespmem:s29+$0x910] =	vst v3;
	v3 =	vmul.f32 v43, v42  }
0xd9: {  	v2 =	vbroadcast v2, $0xF;
	v52 =	vld [tilespmem:s29+$0x990];
	v54 =	vmul.f32 v47, v42;
	[tilespmem:s29+$0x940] =	vst v51  }
0xda: {  	v56 =	vld [tilespmem:s29+$0x9C0];
	[tilespmem:s29+$0x930] =	vst v3;
	v3 =	vmul.f32 v46, v42  }
0xdb: {  	v57 =	vmul.f32 v50, v2;
	[tilespmem:s29+$0x960] =	vst v54;
	v55 =	vld [tilespmem:s29+$0x9B0]  }
0xdc: {  	v59 =	vld [tilespmem:s29+$0x9E0];
	[tilespmem:s29+$0x950] =	vst v3;
	v3 =	vmul.f32 v49, v42  }
0xdd: {  	v58 =	vld [tilespmem:s29+$0x9D0];
	v60 =	vmul.f32 v53, v2;
	[tilespmem:s29+$0x980] =	vst v57  }
0xde: {  	v61 =	vld [tilespmem:s29+$0x9F0];
	[tilespmem:s29+$0x970] =	vst v3;
	v3 =	vmul.f32 v52, v2  }
0xdf: {  	[tilespmem:s29+$0x9A0] =	vst v60;
	v62 =	vmul.f32 v56, v2  }
0xe0: {  	p0 =	sne.s32 s28, $0x7;
	[tilespmem:s29+$0x990] =	vst v3;
	v3 =	vmul.f32 v55, v2  }
.Ltmp1:
0xe1: {  	[tilespmem:s29+$0x9C0] =	vst v62;
	v63 =	vmul.f32 v59, v2;
	(pc) =	sbr.rel @p0 .LBB2_5-.Ltmp1, $4  }
0xe2: {  	[tilespmem:s29+$0x9B0] =	vst v3;
	v3 =	vmul.f32 v58, v2  }
0xe3: {  	[tilespmem:s29+$0x9E0] =	vst v63;
	v2 =	vmul.f32 v61, v2  }
0xe4: {  	[tilespmem:s29+$0x9D0] =	vst v3  }
0xe5: {  	s28 =	sadd.s32 $0x1, s28;
	[tilespmem:s29+$0x9F0] =	vst v2  }
0xe6: {  	s26 =	sadd.s32 $0x1, s26  }
0xe7: {  	p0 =	sne.s32 s26, $0x4F  }
.Ltmp2:
0xe8: {  	_ = 	snop;
	(pc) =	sbr.rel @p0 .LBB2_4-.Ltmp2, $4  }
0xe9: {  	[spmem:s3] =	stream.indirect.scatter.add.f32 [tilespmem:s18], [sflag:$0x2], $0x80, s21, s21, $0xb8;
	[tilespmem:$0x18280] =	vst v63  }
0xea: {  	_ =	swait.ge [sflag:s19], $0x4000  }
0xeb: {  	[sflag:s19] =	ssyncset.done $0x0  }
0xec: {  	[sflag:s19] =	ssyncadd.s32 $0xFFFFC000  }
0xed: {  	s5 =	sadd.s32 $0x1, s5  }
0xee: {  	s25 =	sshll.u32 s4, $0x6;
	[bflag:$0x0] =	sbarrier.arrive $0xFFFF;
	p0 =	sne.s32 s5, s17  }
.Ltmp3:
0xef: {  	s26 =	sshrl.u32 s10, $0x3;
	s25 =	sor.u32 $0x1C02, s25;
	(pc) =	sbr.rel @p0 .LBB2_1-.Ltmp3, $4  }
0xf0: {  	[hbm:s16], [sflag:s25] =	dma.local [spmem:s26], $0x2800  }
0xf1: {  	_ =	swait.ge [sflag:s19], $0x2800  }
0xf2: {  	[sflag:s19] =	ssyncset.done $0x0  }
0xf3: {  	[sflag:s19] =	ssyncadd.s32 $0xFFFFD800  }
0xf4: {  	_ =	sfence.sel $0x180000  }
0xf5: {  	[bflag:$0x0] =	sbarrier.arrive $0xFFFF  }
0xf6: {  	p0 =	sne.s32 s4, $0x0;
	_ =	strace $0x90000047  }
0xf7: {  	s0 =	sadd.s32 @!p0 $0x100000, s0;
	[bflag:$0x2] =	sbarrier.arrive $0xFFFF  }
0xf8: {  	[sflag:s0] =	ssyncadd.tile.s32 @!p0 $0x1;
	_ =	shalt  }
.Lfunc_end2:
_tile_overlayer_lowered:
.L_overlay_start_2:
0xf9: {  	(tag) =	ssettag $0x2  }
0xfa: {  	s0 =	rddreg [dreg:$0x0];
	s2 =	stileid.u32  }
0xfb: {  	s1 =	rddreg [dreg:$0x1];
	p0 =	sne.s32 s2, $0x0  }
0xfc: {  	s3 =	rddreg [dreg:$0x2];
	[bflag:$0x3] =	sbarrier.arrive $0xFFFF;
	s2 =	simm.s32 @!p0 $0x1C02  }
0xfd: {  	[timem:s3], [sflag:s2] =	dma.local @!p0 [hbm:s0], s1  }
0xfe: {  	s0 =	simm.s32 @!p0 $0x2  }
0xff: {  	_ =	swait.ge @!p0 [sflag:s0], s1  }
0x100: {  	s1 =	ssub.s32 @!p0 $0x0, s1;
	[sflag:s0] =	ssyncset.done @!p0 $0x0  }
0x101: {  	[sflag:s0] =	ssyncadd.s32 @!p0 s1  }
0x102: {  	[bflag:$0x3] =	sbarrier.arrive $0xFFFF  }
0x103: {  	_ =	shalt  }

</sc_bundles>
